<compile_context>
chip_gen: v7x
topology: tpu7x:2x2x1
jax: 0.10.2.dev20260603
libtpu: 0.0.44.dev20260713+nightly
codegen_flags: <defaults>
</compile_context>

<pallas_src>
import math

import jax
import jax.numpy as jnp
from jax import lax
from jax.experimental import pallas as pl
from jax.experimental.pallas import tpu as pltpu
from jax.experimental.pallas import tpu_sc as plsc

_N = 20000
_L = 16
_TILE = 128
_WCOLS = 10 * _TILE
_NTILES = 157
_CLAMP = _NTILES * _TILE - _WCOLS
assert 15 * _WCOLS >= _CLAMP
_NG = _WCOLS // _L

_SCALE_CLAMP = math.log(224.0 / 8.0)
_BG = -1e8


_HALF = _WCOLS // 2


def _sc_body(d_hbm, a_hbm, o_hbm, d_v, a_v, o_v, sem1, sem2, sem3):
    wid = lax.axis_index("s")
    start = pl.multiple_of(jnp.minimum(wid * _WCOLS, _CLAMP), _TILE)
    i1d = pltpu.async_copy(d_hbm.at[:, pl.ds(start, _HALF)],
                           d_v.at[:, pl.ds(0, _HALF)], sem1)
    i1a = pltpu.async_copy(a_hbm.at[:, pl.ds(start, _HALF)],
                           a_v.at[:, pl.ds(0, _HALF)], sem1)
    i2d = pltpu.async_copy(d_hbm.at[:, pl.ds(start + _HALF, _HALF)],
                           d_v.at[:, pl.ds(_HALF, _HALF)], sem2)
    i2a = pltpu.async_copy(a_hbm.at[:, pl.ds(start + _HALF, _HALF)],
                           a_v.at[:, pl.ds(_HALF, _HALF)], sem2)

    clamp = jnp.full((_L,), _SCALE_CLAMP, jnp.float32)
    bg = jnp.full((_L,), _BG, jnp.float32)

    def _step(g):
        o = g * _L
        dx = d_v[0, pl.ds(o, _L)]
        dy = d_v[1, pl.ds(o, _L)]
        dw = d_v[2, pl.ds(o, _L)]
        dh = d_v[3, pl.ds(o, _L)]
        x1 = a_v[0, pl.ds(o, _L)]
        y1 = a_v[1, pl.ds(o, _L)]
        x2 = a_v[2, pl.ds(o, _L)]
        y2 = a_v[3, pl.ds(o, _L)]
        pw = x2 - x1
        ph = y2 - y1
        px = (x1 + x2) * 0.5
        py = (y1 + y2) * 0.5
        bw2 = jnp.exp(jnp.minimum(dw, clamp)) * pw * 0.5
        bh2 = jnp.exp(jnp.minimum(dh, clamp)) * ph * 0.5
        bx = dx * pw + px
        by = dy * ph + py
        fg = dx != bg
        o_v[0, pl.ds(o, _L)] = jnp.where(fg, bx - bw2, bg)
        o_v[1, pl.ds(o, _L)] = jnp.where(fg, by - bh2, bg)
        o_v[2, pl.ds(o, _L)] = jnp.where(fg, bx + bw2, bg)
        o_v[3, pl.ds(o, _L)] = jnp.where(fg, by + bh2, bg)

    i1d.wait()
    i1a.wait()

    @plsc.parallel_loop(0, _HALF // _L, unroll=1)
    def _loop1(g):
        _step(g)

    o1 = pltpu.async_copy(o_v.at[:, pl.ds(0, _HALF)],
                          o_hbm.at[:, pl.ds(start, _HALF)], sem3)
    i2d.wait()
    i2a.wait()

    @plsc.parallel_loop(_HALF // _L, _NG, unroll=1)
    def _loop2(g):
        _step(g)

    pltpu.sync_copy(o_v.at[:, pl.ds(_HALF, _HALF)],
                    o_hbm.at[:, pl.ds(start + _HALF, _HALF)])
    o1.wait()


_decode = pl.kernel(
    _sc_body,
    out_type=jax.ShapeDtypeStruct((4, _N), jnp.float32),
    mesh=plsc.VectorSubcoreMesh(core_axis_name="c", subcore_axis_name="s",
                                num_cores=1, num_subcores=16),
    compiler_params=pltpu.CompilerParams(
        needs_layout_passes=False,
        skip_device_barrier=True,
        disable_bounds_checks=True,
        disable_semaphore_checks=True,
    ),
    scratch_types=[
        pltpu.VMEM((4, _WCOLS), jnp.float32),
        pltpu.VMEM((4, _WCOLS), jnp.float32),
        pltpu.VMEM((4, _WCOLS), jnp.float32),
        pltpu.SemaphoreType.DMA,
        pltpu.SemaphoreType.DMA,
        pltpu.SemaphoreType.DMA,
    ],
)


def kernel(deltas, anchors):
    return _decode(deltas.T, anchors.T).T

# --- scband reference (transcript-rebuilt; emitter-appended) ---
"""Pipeline reference for scband-rpn-16913581211797 (READ-ONLY COPY).

The authoritative reference and input builder live on the scoring server;
editing this copy changes nothing except your own understanding.
"""

import jax, jax.numpy as jnp
import numpy as np
import math

def setup_inputs(seed: int = 0) -> dict:
    key = jax.random.key(seed)
    k1, k2 = jax.random.split(key)
    N = 20000
    deltas = jax.random.normal(k1, (N, 4), dtype=jnp.float32) * 0.5
    # build valid XYXY anchors: centers in [0, 1024), sizes in [16, 128)
    kc, ks = jax.random.split(k2)
    centers = jax.random.uniform(kc, (N, 2), dtype=jnp.float32) * 1024.0
    sizes = jax.random.uniform(ks, (N, 2), dtype=jnp.float32) * 112.0 + 16.0
    anchors = jnp.concatenate([centers - sizes / 2, centers + sizes / 2], axis=1)
    # mark ~10% of deltas as background sentinel (-1e8) like the torch pipeline does
    mask = jax.random.uniform(jax.random.fold_in(key, 7), (N,)) < 0.1
    deltas = jnp.where(mask[:, None], jnp.float32(-1e8), deltas)
    return {"deltas": deltas, "anchors": anchors}

def reference(deltas, anchors):
    # rcnn_apply_deltas_to_anchors (vectorized, jit-friendly)
    scale_clamp = math.log(224.0 / 8.0)
    dx = deltas[:, 0]
    dy = deltas[:, 1]
    dw = jnp.minimum(deltas[:, 2], scale_clamp)
    dh = jnp.minimum(deltas[:, 3], scale_clamp)
    fg = deltas[:, 0] != -1e8
    px = (anchors[:, 0] + anchors[:, 2]) / 2
    py = (anchors[:, 1] + anchors[:, 3]) / 2
    pw = anchors[:, 2] - anchors[:, 0]
    ph = anchors[:, 3] - anchors[:, 1]
    bx = dx * pw + px
    by = dy * ph + py
    bw = jnp.exp(dw) * pw
    bh = jnp.exp(dh) * ph
    x1 = bx - bw / 2
    y1 = by - bh / 2
    x2 = bx + bw / 2
    y2 = by + bh / 2
    boxes = jnp.stack([x1, y1, x2, y2], axis=1)
    out = jnp.where(fg[:, None], boxes, jnp.float32(-1e8))
    return out

if __name__ == "__main__":
    import jax
    _d = setup_inputs()
    print(jax.jit(kernel)(*tuple(_d.values())))

</pallas_src>

<mosaic_0001>
#map = affine_map<(d0, d1) -> (0, 0)>
module attributes {stable_mosaic.version = 14 : i64} {
  func.func @_sc_body(%arg0: i32, %arg1: i32, %arg2: memref<4x20000xf32, #tpu.memory_space<hbm>>, %arg3: memref<4x20000xf32, #tpu.memory_space<hbm>>, %arg4: memref<4x20000xf32, #tpu.memory_space<hbm>>, %arg5: memref<4x1280xf32, #tpu.memory_space<vmem>>, %arg6: memref<4x1280xf32, #tpu.memory_space<vmem>>, %arg7: memref<4x1280xf32, #tpu.memory_space<vmem>>, %arg8: memref<!tpu.dma_semaphore, #tpu.memory_space<semaphore_mem>>, %arg9: memref<!tpu.dma_semaphore, #tpu.memory_space<semaphore_mem>>, %arg10: memref<!tpu.dma_semaphore, #tpu.memory_space<semaphore_mem>>) attributes {dimension_semantics = [#tpu.dimension_semantics<core_parallel>, #tpu.dimension_semantics<subcore_parallel>], iteration_bounds = array<i64: 1, 16>, scalar_prefetch = 0 : i64, scratch_operands = 6 : i64, tpu.core_type = #tpu.core_type<sc_vector_subcore>, window_params = [{transform_indices = #map}, {transform_indices = #map}, {transform_indices = #map}]} {
    %mul3A = arith.constant 1280 : i32
    %mul3A_0 = arith.muli %arg1, %mul3A : i32
    %min3A = arith.constant 18816 : i32
    %min3A_1 = arith.minsi %mul3A_0, %min3A : i32
    %multiple_of3A = tpu.assume_multiple %min3A_1, 128 : i32
    %dma_start3A = arith.constant 0 : i32
    %dma_start3A_2 = arith.constant 0 : i32
    %dma_start3A_3 = tpu.memref_slice %arg5[%dma_start3A, %dma_start3A_2] : memref<4x1280xf32, #tpu.memory_space<vmem>> -> memref<4x640xf32, #tpu.memory_space<vmem>>
    %dma_start3A_4 = arith.constant 0 : i32
    %dma_start3A_5 = tpu.memref_slice %arg2[%dma_start3A_4, %multiple_of3A] : memref<4x20000xf32, #tpu.memory_space<hbm>> -> memref<4x640xf32, #tpu.memory_space<hbm>>
    %dma_start3A_6 = arith.constant 0 : i32
    %dma_start3A_7 = arith.constant 0 : i32
    %dma_start3A_8 = tpu.memref_slice %arg5[%dma_start3A_6, %dma_start3A_7] : memref<4x1280xf32, #tpu.memory_space<vmem>> -> memref<4x640xf32, #tpu.memory_space<vmem>>
    %dma_start3A_9 = arith.constant 0 : i32
    %dma_start3A_10 = tpu.memref_slice %arg2[%dma_start3A_9, %multiple_of3A] : memref<4x20000xf32, #tpu.memory_space<hbm>> -> memref<4x640xf32, #tpu.memory_space<hbm>>
    tpu.enqueue_dma source(%dma_start3A_10 : memref<4x640xf32, #tpu.memory_space<hbm>>) target(%dma_start3A_8 : memref<4x640xf32, #tpu.memory_space<vmem>>) target_semaphore(%arg8 : memref<!tpu.dma_semaphore, #tpu.memory_space<semaphore_mem>>)
    %dma_start3A_11 = arith.constant 0 : i32
    %dma_start3A_12 = arith.constant 0 : i32
    %dma_start3A_13 = tpu.memref_slice %arg6[%dma_start3A_11, %dma_start3A_12] : memref<4x1280xf32, #tpu.memory_space<vmem>> -> memref<4x640xf32, #tpu.memory_space<vmem>>
    %dma_start3A_14 = arith.constant 0 : i32
    %dma_start3A_15 = tpu.memref_slice %arg3[%dma_start3A_14, %multiple_of3A] : memref<4x20000xf32, #tpu.memory_space<hbm>> -> memref<4x640xf32, #tpu.memory_space<hbm>>
    %dma_start3A_16 = arith.constant 0 : i32
    %dma_start3A_17 = arith.constant 0 : i32
    %dma_start3A_18 = tpu.memref_slice %arg6[%dma_start3A_16, %dma_start3A_17] : memref<4x1280xf32, #tpu.memory_space<vmem>> -> memref<4x640xf32, #tpu.memory_space<vmem>>
    %dma_start3A_19 = arith.constant 0 : i32
    %dma_start3A_20 = tpu.memref_slice %arg3[%dma_start3A_19, %multiple_of3A] : memref<4x20000xf32, #tpu.memory_space<hbm>> -> memref<4x640xf32, #tpu.memory_space<hbm>>
    tpu.enqueue_dma source(%dma_start3A_20 : memref<4x640xf32, #tpu.memory_space<hbm>>) target(%dma_start3A_18 : memref<4x640xf32, #tpu.memory_space<vmem>>) target_semaphore(%arg8 : memref<!tpu.dma_semaphore, #tpu.memory_space<semaphore_mem>>)
    %add3A = arith.constant 640 : i32
    %add3A_21 = arith.addi %multiple_of3A, %add3A : i32
    %dma_start3A_22 = arith.constant 0 : i32
    %dma_start3A_23 = arith.constant 640 : i32
    %dma_start3A_24 = tpu.memref_slice %arg5[%dma_start3A_22, %dma_start3A_23] : memref<4x1280xf32, #tpu.memory_space<vmem>> -> memref<4x640xf32, #tpu.memory_space<vmem>>
    %dma_start3A_25 = arith.constant 0 : i32
    %dma_start3A_26 = tpu.memref_slice %arg2[%dma_start3A_25, %add3A_21] : memref<4x20000xf32, #tpu.memory_space<hbm>> -> memref<4x640xf32, #tpu.memory_space<hbm>>
    %dma_start3A_27 = arith.constant 0 : i32
    %dma_start3A_28 = arith.constant 640 : i32
    %dma_start3A_29 = tpu.memref_slice %arg5[%dma_start3A_27, %dma_start3A_28] : memref<4x1280xf32, #tpu.memory_space<vmem>> -> memref<4x640xf32, #tpu.memory_space<vmem>>
    %dma_start3A_30 = arith.constant 0 : i32
    %dma_start3A_31 = tpu.memref_slice %arg2[%dma_start3A_30, %add3A_21] : memref<4x20000xf32, #tpu.memory_space<hbm>> -> memref<4x640xf32, #tpu.memory_space<hbm>>
    tpu.enqueue_dma source(%dma_start3A_31 : memref<4x640xf32, #tpu.memory_space<hbm>>) target(%dma_start3A_29 : memref<4x640xf32, #tpu.memory_space<vmem>>) target_semaphore(%arg9 : memref<!tpu.dma_semaphore, #tpu.memory_space<semaphore_mem>>)
    %add3A_32 = arith.constant 640 : i32
    %add3A_33 = arith.addi %multiple_of3A, %add3A_32 : i32
    %dma_start3A_34 = arith.constant 0 : i32
    %dma_start3A_35 = arith.constant 640 : i32
    %dma_start3A_36 = tpu.memref_slice %arg6[%dma_start3A_34, %dma_start3A_35] : memref<4x1280xf32, #tpu.memory_space<vmem>> -> memref<4x640xf32, #tpu.memory_space<vmem>>
    %dma_start3A_37 = arith.constant 0 : i32
    %dma_start3A_38 = tpu.memref_slice %arg3[%dma_start3A_37, %add3A_33] : memref<4x20000xf32, #tpu.memory_space<hbm>> -> memref<4x640xf32, #tpu.memory_space<hbm>>
    %dma_start3A_39 = arith.constant 0 : i32
    %dma_start3A_40 = arith.constant 640 : i32
    %dma_start3A_41 = tpu.memref_slice %arg6[%dma_start3A_39, %dma_start3A_40] : memref<4x1280xf32, #tpu.memory_space<vmem>> -> memref<4x640xf32, #tpu.memory_space<vmem>>
    %dma_start3A_42 = arith.constant 0 : i32
    %dma_start3A_43 = tpu.memref_slice %arg3[%dma_start3A_42, %add3A_33] : memref<4x20000xf32, #tpu.memory_space<hbm>> -> memref<4x640xf32, #tpu.memory_space<hbm>>
    tpu.enqueue_dma source(%dma_start3A_43 : memref<4x640xf32, #tpu.memory_space<hbm>>) target(%dma_start3A_41 : memref<4x640xf32, #tpu.memory_space<vmem>>) target_semaphore(%arg9 : memref<!tpu.dma_semaphore, #tpu.memory_space<semaphore_mem>>)
    %broadcast_in_dim3A = arith.constant 3.33220458 : f32
    %broadcast_in_dim3A_44 = vector.broadcast %broadcast_in_dim3A : f32 to vector<16xf32>
    %broadcast_in_dim3A_45 = arith.constant -1.000000e+08 : f32
    %broadcast_in_dim3A_46 = vector.broadcast %broadcast_in_dim3A_45 : f32 to vector<16xf32>
    %dma_wait3A = arith.constant 0 : i32
    %dma_wait3A_47 = arith.constant 0 : i32
    %dma_wait3A_48 = tpu.memref_slice %arg5[%dma_wait3A, %dma_wait3A_47] : memref<4x1280xf32, #tpu.memory_space<vmem>> -> memref<4x640xf32, #tpu.memory_space<vmem>>
    %dma_wait3A_49 = arith.constant 0 : i32
    %dma_wait3A_50 = tpu.memref_slice %arg2[%dma_wait3A_49, %multiple_of3A] : memref<4x20000xf32, #tpu.memory_space<hbm>> -> memref<4x640xf32, #tpu.memory_space<hbm>>
    %dma_wait3A_51 = arith.constant 0 : i32
    %dma_wait3A_52 = arith.constant 0 : i32
    %dma_wait3A_53 = tpu.memref_slice %arg5[%dma_wait3A_51, %dma_wait3A_52] : memref<4x1280xf32, #tpu.memory_space<vmem>> -> memref<4x640xf32, #tpu.memory_space<vmem>>
    %dma_wait3A_54 = arith.constant 0 : i32
    %dma_wait3A_55 = tpu.memref_slice %arg2[%dma_wait3A_54, %multiple_of3A] : memref<4x20000xf32, #tpu.memory_space<hbm>> -> memref<4x640xf32, #tpu.memory_space<hbm>>
    tpu.wait_dma2 semaphore(%arg8 : memref<!tpu.dma_semaphore, #tpu.memory_space<semaphore_mem>>) src(%dma_wait3A_55 : memref<4x640xf32, #tpu.memory_space<hbm>>) dst(%dma_wait3A_53 : memref<4x640xf32, #tpu.memory_space<vmem>>)
    %dma_wait3A_56 = arith.constant 0 : i32
    %dma_wait3A_57 = arith.constant 0 : i32
    %dma_wait3A_58 = tpu.memref_slice %arg6[%dma_wait3A_56, %dma_wait3A_57] : memref<4x1280xf32, #tpu.memory_space<vmem>> -> memref<4x640xf32, #tpu.memory_space<vmem>>
    %dma_wait3A_59 = arith.constant 0 : i32
    %dma_wait3A_60 = tpu.memref_slice %arg3[%dma_wait3A_59, %multiple_of3A] : memref<4x20000xf32, #tpu.memory_space<hbm>> -> memref<4x640xf32, #tpu.memory_space<hbm>>
    %dma_wait3A_61 = arith.constant 0 : i32
    %dma_wait3A_62 = arith.constant 0 : i32
    %dma_wait3A_63 = tpu.memref_slice %arg6[%dma_wait3A_61, %dma_wait3A_62] : memref<4x1280xf32, #tpu.memory_space<vmem>> -> memref<4x640xf32, #tpu.memory_space<vmem>>
    %dma_wait3A_64 = arith.constant 0 : i32
    %dma_wait3A_65 = tpu.memref_slice %arg3[%dma_wait3A_64, %multiple_of3A] : memref<4x20000xf32, #tpu.memory_space<hbm>> -> memref<4x640xf32, #tpu.memory_space<hbm>>
    tpu.wait_dma2 semaphore(%arg8 : memref<!tpu.dma_semaphore, #tpu.memory_space<semaphore_mem>>) src(%dma_wait3A_65 : memref<4x640xf32, #tpu.memory_space<hbm>>) dst(%dma_wait3A_63 : memref<4x640xf32, #tpu.memory_space<vmem>>)
    %parallel_loop3A = arith.constant 0 : i32
    %parallel_loop3A_66 = arith.constant 40 : i32
    %parallel_loop3A_67 = arith.constant 1 : i32
    scf.for %parallel_loop3A_113 = %parallel_loop3A to %parallel_loop3A_66 step %parallel_loop3A_67  : i32 {
      %parallel_loop3A_114 = arith.constant 16 : i32
      %parallel_loop3A_115 = arith.muli %parallel_loop3A_113, %parallel_loop3A_114 : i32
      %parallel_loop3A_116 = arith.constant 0 : i32
      %parallel_loop3A_117 = arith.index_cast %parallel_loop3A_116 : i32 to index
      %parallel_loop3A_118 = arith.index_cast %parallel_loop3A_115 : i32 to index
      %parallel_loop3A_119 = tpu.vector_load %arg5[%parallel_loop3A_117, %parallel_loop3A_118] {strides = array<i32>} : memref<4x1280xf32, #tpu.memory_space<vmem>>, vector<16xf32>,
      %parallel_loop3A_120 = arith.constant 1 : i32
      %parallel_loop3A_121 = arith.index_cast %parallel_loop3A_120 : i32 to index
      %parallel_loop3A_122 = arith.index_cast %parallel_loop3A_115 : i32 to index
      %parallel_loop3A_123 = tpu.vector_load %arg5[%parallel_loop3A_121, %parallel_loop3A_122] {strides = array<i32>} : memref<4x1280xf32, #tpu.memory_space<vmem>>, vector<16xf32>,
      %parallel_loop3A_124 = arith.constant 2 : i32
      %parallel_loop3A_125 = arith.index_cast %parallel_loop3A_124 : i32 to index
      %parallel_loop3A_126 = arith.index_cast %parallel_loop3A_115 : i32 to index
      %parallel_loop3A_127 = tpu.vector_load %arg5[%parallel_loop3A_125, %parallel_loop3A_126] {strides = array<i32>} : memref<4x1280xf32, #tpu.memory_space<vmem>>, vector<16xf32>,
      %parallel_loop3A_128 = arith.constant 3 : i32
      %parallel_loop3A_129 = arith.index_cast %parallel_loop3A_128 : i32 to index
      %parallel_loop3A_130 = arith.index_cast %parallel_loop3A_115 : i32 to index
      %parallel_loop3A_131 = tpu.vector_load %arg5[%parallel_loop3A_129, %parallel_loop3A_130] {strides = array<i32>} : memref<4x1280xf32, #tpu.memory_space<vmem>>, vector<16xf32>,
      %parallel_loop3A_132 = arith.constant 0 : i32
      %parallel_loop3A_133 = arith.index_cast %parallel_loop3A_132 : i32 to index
      %parallel_loop3A_134 = arith.index_cast %parallel_loop3A_115 : i32 to index
      %parallel_loop3A_135 = tpu.vector_load %arg6[%parallel_loop3A_133, %parallel_loop3A_134] {strides = array<i32>} : memref<4x1280xf32, #tpu.memory_space<vmem>>, vector<16xf32>,
      %parallel_loop3A_136 = arith.constant 1 : i32
      %parallel_loop3A_137 = arith.index_cast %parallel_loop3A_136 : i32 to index
      %parallel_loop3A_138 = arith.index_cast %parallel_loop3A_115 : i32 to index
      %parallel_loop3A_139 = tpu.vector_load %arg6[%parallel_loop3A_137, %parallel_loop3A_138] {strides = array<i32>} : memref<4x1280xf32, #tpu.memory_space<vmem>>, vector<16xf32>,
      %parallel_loop3A_140 = arith.constant 2 : i32
      %parallel_loop3A_141 = arith.index_cast %parallel_loop3A_140 : i32 to index
      %parallel_loop3A_142 = arith.index_cast %parallel_loop3A_115 : i32 to index
      %parallel_loop3A_143 = tpu.vector_load %arg6[%parallel_loop3A_141, %parallel_loop3A_142] {strides = array<i32>} : memref<4x1280xf32, #tpu.memory_space<vmem>>, vector<16xf32>,
      %parallel_loop3A_144 = arith.constant 3 : i32
      %parallel_loop3A_145 = arith.index_cast %parallel_loop3A_144 : i32 to index
      %parallel_loop3A_146 = arith.index_cast %parallel_loop3A_115 : i32 to index
      %parallel_loop3A_147 = tpu.vector_load %arg6[%parallel_loop3A_145, %parallel_loop3A_146] {strides = array<i32>} : memref<4x1280xf32, #tpu.memory_space<vmem>>, vector<16xf32>,
      %parallel_loop3A_148 = arith.subf %parallel_loop3A_143, %parallel_loop3A_135 : vector<16xf32>
      %parallel_loop3A_149 = arith.subf %parallel_loop3A_147, %parallel_loop3A_139 : vector<16xf32>
      %parallel_loop3A_150 = arith.addf %parallel_loop3A_135, %parallel_loop3A_143 : vector<16xf32>
      %parallel_loop3A_151 = arith.constant 5.000000e-01 : f32
      %parallel_loop3A_152 = vector.broadcast %parallel_loop3A_151 : f32 to vector<16xf32>
      %parallel_loop3A_153 = arith.mulf %parallel_loop3A_150, %parallel_loop3A_152 : vector<16xf32>
      %parallel_loop3A_154 = arith.addf %parallel_loop3A_139, %parallel_loop3A_147 : vector<16xf32>
      %parallel_loop3A_155 = arith.constant 5.000000e-01 : f32
      %parallel_loop3A_156 = vector.broadcast %parallel_loop3A_155 : f32 to vector<16xf32>
      %parallel_loop3A_157 = arith.mulf %parallel_loop3A_154, %parallel_loop3A_156 : vector<16xf32>
      %parallel_loop3A_158 = arith.minimumf %parallel_loop3A_127, %broadcast_in_dim3A_44 : vector<16xf32>
      %parallel_loop3A_159 = math.exp %parallel_loop3A_158 : vector<16xf32>
      %parallel_loop3A_160 = arith.mulf %parallel_loop3A_159, %parallel_loop3A_148 : vector<16xf32>
      %parallel_loop3A_161 = arith.constant 5.000000e-01 : f32
      %parallel_loop3A_162 = vector.broadcast %parallel_loop3A_161 : f32 to vector<16xf32>
      %parallel_loop3A_163 = arith.mulf %parallel_loop3A_160, %parallel_loop3A_162 : vector<16xf32>
      %parallel_loop3A_164 = arith.minimumf %parallel_loop3A_131, %broadcast_in_dim3A_44 : vector<16xf32>
      %parallel_loop3A_165 = math.exp %parallel_loop3A_164 : vector<16xf32>
      %parallel_loop3A_166 = arith.mulf %parallel_loop3A_165, %parallel_loop3A_149 : vector<16xf32>
      %parallel_loop3A_167 = arith.constant 5.000000e-01 : f32
      %parallel_loop3A_168 = vector.broadcast %parallel_loop3A_167 : f32 to vector<16xf32>
      %parallel_loop3A_169 = arith.mulf %parallel_loop3A_166, %parallel_loop3A_168 : vector<16xf32>
      %parallel_loop3A_170 = arith.mulf %parallel_loop3A_119, %parallel_loop3A_148 : vector<16xf32>
      %parallel_loop3A_171 = arith.addf %parallel_loop3A_170, %parallel_loop3A_153 : vector<16xf32>
      %parallel_loop3A_172 = arith.mulf %parallel_loop3A_123, %parallel_loop3A_149 : vector<16xf32>
      %parallel_loop3A_173 = arith.addf %parallel_loop3A_172, %parallel_loop3A_157 : vector<16xf32>
      %parallel_loop3A_174 = arith.cmpf one, %parallel_loop3A_119, %broadcast_in_dim3A_46 : vector<16xf32>
      %parallel_loop3A_175 = arith.subf %parallel_loop3A_171, %parallel_loop3A_163 : vector<16xf32>
      %parallel_loop3A_176 = arith.select %parallel_loop3A_174, %parallel_loop3A_175, %broadcast_in_dim3A_46 : vector<16xi1>, vector<16xf32>
      %parallel_loop3A_177 = arith.constant 0 : i32
      %parallel_loop3A_178 = arith.index_cast %parallel_loop3A_177 : i32 to index
      %parallel_loop3A_179 = arith.index_cast %parallel_loop3A_115 : i32 to index
      %parallel_loop3A_180 = tpu.vector_load %arg7[%parallel_loop3A_178, %parallel_loop3A_179] {strides = array<i32>} : memref<4x1280xf32, #tpu.memory_space<vmem>>, vector<16xf32>,
      tpu.vector_store %arg7[%parallel_loop3A_178, %parallel_loop3A_179], %parallel_loop3A_176 {strides = array<i32>} : memref<4x1280xf32, #tpu.memory_space<vmem>>, vector<16xf32>,
      %parallel_loop3A_181 = arith.subf %parallel_loop3A_173, %parallel_loop3A_169 : vector<16xf32>
      %parallel_loop3A_182 = arith.select %parallel_loop3A_174, %parallel_loop3A_181, %broadcast_in_dim3A_46 : vector<16xi1>, vector<16xf32>
      %parallel_loop3A_183 = arith.constant 1 : i32
      %parallel_loop3A_184 = arith.index_cast %parallel_loop3A_183 : i32 to index
      %parallel_loop3A_185 = arith.index_cast %parallel_loop3A_115 : i32 to index
      %parallel_loop3A_186 = tpu.vector_load %arg7[%parallel_loop3A_184, %parallel_loop3A_185] {strides = array<i32>} : memref<4x1280xf32, #tpu.memory_space<vmem>>, vector<16xf32>,
      tpu.vector_store %arg7[%parallel_loop3A_184, %parallel_loop3A_185], %parallel_loop3A_182 {strides = array<i32>} : memref<4x1280xf32, #tpu.memory_space<vmem>>, vector<16xf32>,
      %parallel_loop3A_187 = arith.addf %parallel_loop3A_171, %parallel_loop3A_163 : vector<16xf32>
      %parallel_loop3A_188 = arith.select %parallel_loop3A_174, %parallel_loop3A_187, %broadcast_in_dim3A_46 : vector<16xi1>, vector<16xf32>
      %parallel_loop3A_189 = arith.constant 2 : i32
      %parallel_loop3A_190 = arith.index_cast %parallel_loop3A_189 : i32 to index
      %parallel_loop3A_191 = arith.index_cast %parallel_loop3A_115 : i32 to index
      %parallel_loop3A_192 = tpu.vector_load %arg7[%parallel_loop3A_190, %parallel_loop3A_191] {strides = array<i32>} : memref<4x1280xf32, #tpu.memory_space<vmem>>, vector<16xf32>,
      tpu.vector_store %arg7[%parallel_loop3A_190, %parallel_loop3A_191], %parallel_loop3A_188 {strides = array<i32>} : memref<4x1280xf32, #tpu.memory_space<vmem>>, vector<16xf32>,
      %parallel_loop3A_193 = arith.addf %parallel_loop3A_173, %parallel_loop3A_169 : vector<16xf32>
      %parallel_loop3A_194 = arith.select %parallel_loop3A_174, %parallel_loop3A_193, %broadcast_in_dim3A_46 : vector<16xi1>, vector<16xf32>
      %parallel_loop3A_195 = arith.constant 3 : i32
      %parallel_loop3A_196 = arith.index_cast %parallel_loop3A_195 : i32 to index
      %parallel_loop3A_197 = arith.index_cast %parallel_loop3A_115 : i32 to index
      %parallel_loop3A_198 = tpu.vector_load %arg7[%parallel_loop3A_196, %parallel_loop3A_197] {strides = array<i32>} : memref<4x1280xf32, #tpu.memory_space<vmem>>, vector<16xf32>,
      tpu.vector_store %arg7[%parallel_loop3A_196, %parallel_loop3A_197], %parallel_loop3A_194 {strides = array<i32>} : memref<4x1280xf32, #tpu.memory_space<vmem>>, vector<16xf32>,
    } {sc.loop_unroll_factor = 1 : i64, sc.parallel_access}
    %dma_start3A_68 = arith.constant 0 : i32
    %dma_start3A_69 = arith.constant 0 : i32
    %dma_start3A_70 = tpu.memref_slice %arg7[%dma_start3A_68, %dma_start3A_69] : memref<4x1280xf32, #tpu.memory_space<vmem>> -> memref<4x640xf32, #tpu.memory_space<vmem>>
    %dma_start3A_71 = arith.constant 0 : i32
    %dma_start3A_72 = tpu.memref_slice %arg4[%dma_start3A_71, %multiple_of3A] : memref<4x20000xf32, #tpu.memory_space<hbm>> -> memref<4x640xf32, #tpu.memory_space<hbm>>
    %dma_start3A_73 = arith.constant 0 : i32
    %dma_start3A_74 = tpu.memref_slice %arg4[%dma_start3A_73, %multiple_of3A] : memref<4x20000xf32, #tpu.memory_space<hbm>> -> memref<4x640xf32, #tpu.memory_space<hbm>>
    %dma_start3A_75 = arith.constant 0 : i32
    %dma_start3A_76 = arith.constant 0 : i32
    %dma_start3A_77 = tpu.memref_slice %arg7[%dma_start3A_75, %dma_start3A_76] : memref<4x1280xf32, #tpu.memory_space<vmem>> -> memref<4x640xf32, #tpu.memory_space<vmem>>
    tpu.enqueue_dma source(%dma_start3A_77 : memref<4x640xf32, #tpu.memory_space<vmem>>) target(%dma_start3A_74 : memref<4x640xf32, #tpu.memory_space<hbm>>) target_semaphore(%arg10 : memref<!tpu.dma_semaphore, #tpu.memory_space<semaphore_mem>>)
    %dma_wait3A_78 = arith.constant 0 : i32
    %dma_wait3A_79 = arith.constant 640 : i32
    %dma_wait3A_80 = tpu.memref_slice %arg5[%dma_wait3A_78, %dma_wait3A_79] : memref<4x1280xf32, #tpu.memory_space<vmem>> -> memref<4x640xf32, #tpu.memory_space<vmem>>
    %dma_wait3A_81 = arith.constant 0 : i32
    %dma_wait3A_82 = tpu.memref_slice %arg2[%dma_wait3A_81, %add3A_21] : memref<4x20000xf32, #tpu.memory_space<hbm>> -> memref<4x640xf32, #tpu.memory_space<hbm>>
    %dma_wait3A_83 = arith.constant 0 : i32
    %dma_wait3A_84 = arith.constant 640 : i32
    %dma_wait3A_85 = tpu.memref_slice %arg5[%dma_wait3A_83, %dma_wait3A_84] : memref<4x1280xf32, #tpu.memory_space<vmem>> -> memref<4x640xf32, #tpu.memory_space<vmem>>
    %dma_wait3A_86 = arith.constant 0 : i32
    %dma_wait3A_87 = tpu.memref_slice %arg2[%dma_wait3A_86, %add3A_21] : memref<4x20000xf32, #tpu.memory_space<hbm>> -> memref<4x640xf32, #tpu.memory_space<hbm>>
    tpu.wait_dma2 semaphore(%arg9 : memref<!tpu.dma_semaphore, #tpu.memory_space<semaphore_mem>>) src(%dma_wait3A_87 : memref<4x640xf32, #tpu.memory_space<hbm>>) dst(%dma_wait3A_85 : memref<4x640xf32, #tpu.memory_space<vmem>>)
    %dma_wait3A_88 = arith.constant 0 : i32
    %dma_wait3A_89 = arith.constant 640 : i32
    %dma_wait3A_90 = tpu.memref_slice %arg6[%dma_wait3A_88, %dma_wait3A_89] : memref<4x1280xf32, #tpu.memory_space<vmem>> -> memref<4x640xf32, #tpu.memory_space<vmem>>
    %dma_wait3A_91 = arith.constant 0 : i32
    %dma_wait3A_92 = tpu.memref_slice %arg3[%dma_wait3A_91, %add3A_33] : memref<4x20000xf32, #tpu.memory_space<hbm>> -> memref<4x640xf32, #tpu.memory_space<hbm>>
    %dma_wait3A_93 = arith.constant 0 : i32
    %dma_wait3A_94 = arith.constant 640 : i32
    %dma_wait3A_95 = tpu.memref_slice %arg6[%dma_wait3A_93, %dma_wait3A_94] : memref<4x1280xf32, #tpu.memory_space<vmem>> -> memref<4x640xf32, #tpu.memory_space<vmem>>
    %dma_wait3A_96 = arith.constant 0 : i32
    %dma_wait3A_97 = tpu.memref_slice %arg3[%dma_wait3A_96, %add3A_33] : memref<4x20000xf32, #tpu.memory_space<hbm>> -> memref<4x640xf32, #tpu.memory_space<hbm>>
    tpu.wait_dma2 semaphore(%arg9 : memref<!tpu.dma_semaphore, #tpu.memory_space<semaphore_mem>>) src(%dma_wait3A_97 : memref<4x640xf32, #tpu.memory_space<hbm>>) dst(%dma_wait3A_95 : memref<4x640xf32, #tpu.memory_space<vmem>>)
    %parallel_loop3A_98 = arith.constant 40 : i32
    %parallel_loop3A_99 = arith.constant 80 : i32
    %parallel_loop3A_100 = arith.constant 1 : i32
    scf.for %parallel_loop3A_113 = %parallel_loop3A_98 to %parallel_loop3A_99 step %parallel_loop3A_100  : i32 {
      %parallel_loop3A_114 = arith.constant 16 : i32
      %parallel_loop3A_115 = arith.muli %parallel_loop3A_113, %parallel_loop3A_114 : i32
      %parallel_loop3A_116 = arith.constant 0 : i32
      %parallel_loop3A_117 = arith.index_cast %parallel_loop3A_116 : i32 to index
      %parallel_loop3A_118 = arith.index_cast %parallel_loop3A_115 : i32 to index
      %parallel_loop3A_119 = tpu.vector_load %arg5[%parallel_loop3A_117, %parallel_loop3A_118] {strides = array<i32>} : memref<4x1280xf32, #tpu.memory_space<vmem>>, vector<16xf32>,
      %parallel_loop3A_120 = arith.constant 1 : i32
      %parallel_loop3A_121 = arith.index_cast %parallel_loop3A_120 : i32 to index
      %parallel_loop3A_122 = arith.index_cast %parallel_loop3A_115 : i32 to index
      %parallel_loop3A_123 = tpu.vector_load %arg5[%parallel_loop3A_121, %parallel_loop3A_122] {strides = array<i32>} : memref<4x1280xf32, #tpu.memory_space<vmem>>, vector<16xf32>,
      %parallel_loop3A_124 = arith.constant 2 : i32
      %parallel_loop3A_125 = arith.index_cast %parallel_loop3A_124 : i32 to index
      %parallel_loop3A_126 = arith.index_cast %parallel_loop3A_115 : i32 to index
      %parallel_loop3A_127 = tpu.vector_load %arg5[%parallel_loop3A_125, %parallel_loop3A_126] {strides = array<i32>} : memref<4x1280xf32, #tpu.memory_space<vmem>>, vector<16xf32>,
      %parallel_loop3A_128 = arith.constant 3 : i32
      %parallel_loop3A_129 = arith.index_cast %parallel_loop3A_128 : i32 to index
      %parallel_loop3A_130 = arith.index_cast %parallel_loop3A_115 : i32 to index
      %parallel_loop3A_131 = tpu.vector_load %arg5[%parallel_loop3A_129, %parallel_loop3A_130] {strides = array<i32>} : memref<4x1280xf32, #tpu.memory_space<vmem>>, vector<16xf32>,
      %parallel_loop3A_132 = arith.constant 0 : i32
      %parallel_loop3A_133 = arith.index_cast %parallel_loop3A_132 : i32 to index
      %parallel_loop3A_134 = arith.index_cast %parallel_loop3A_115 : i32 to index
      %parallel_loop3A_135 = tpu.vector_load %arg6[%parallel_loop3A_133, %parallel_loop3A_134] {strides = array<i32>} : memref<4x1280xf32, #tpu.memory_space<vmem>>, vector<16xf32>,
      %parallel_loop3A_136 = arith.constant 1 : i32
      %parallel_loop3A_137 = arith.index_cast %parallel_loop3A_136 : i32 to index
      %parallel_loop3A_138 = arith.index_cast %parallel_loop3A_115 : i32 to index
      %parallel_loop3A_139 = tpu.vector_load %arg6[%parallel_loop3A_137, %parallel_loop3A_138] {strides = array<i32>} : memref<4x1280xf32, #tpu.memory_space<vmem>>, vector<16xf32>,
      %parallel_loop3A_140 = arith.constant 2 : i32
      %parallel_loop3A_141 = arith.index_cast %parallel_loop3A_140 : i32 to index
      %parallel_loop3A_142 = arith.index_cast %parallel_loop3A_115 : i32 to index
      %parallel_loop3A_143 = tpu.vector_load %arg6[%parallel_loop3A_141, %parallel_loop3A_142] {strides = array<i32>} : memref<4x1280xf32, #tpu.memory_space<vmem>>, vector<16xf32>,
      %parallel_loop3A_144 = arith.constant 3 : i32
      %parallel_loop3A_145 = arith.index_cast %parallel_loop3A_144 : i32 to index
      %parallel_loop3A_146 = arith.index_cast %parallel_loop3A_115 : i32 to index
      %parallel_loop3A_147 = tpu.vector_load %arg6[%parallel_loop3A_145, %parallel_loop3A_146] {strides = array<i32>} : memref<4x1280xf32, #tpu.memory_space<vmem>>, vector<16xf32>,
      %parallel_loop3A_148 = arith.subf %parallel_loop3A_143, %parallel_loop3A_135 : vector<16xf32>
      %parallel_loop3A_149 = arith.subf %parallel_loop3A_147, %parallel_loop3A_139 : vector<16xf32>
      %parallel_loop3A_150 = arith.addf %parallel_loop3A_135, %parallel_loop3A_143 : vector<16xf32>
      %parallel_loop3A_151 = arith.constant 5.000000e-01 : f32
      %parallel_loop3A_152 = vector.broadcast %parallel_loop3A_151 : f32 to vector<16xf32>
      %parallel_loop3A_153 = arith.mulf %parallel_loop3A_150, %parallel_loop3A_152 : vector<16xf32>
      %parallel_loop3A_154 = arith.addf %parallel_loop3A_139, %parallel_loop3A_147 : vector<16xf32>
      %parallel_loop3A_155 = arith.constant 5.000000e-01 : f32
      %parallel_loop3A_156 = vector.broadcast %parallel_loop3A_155 : f32 to vector<16xf32>
      %parallel_loop3A_157 = arith.mulf %parallel_loop3A_154, %parallel_loop3A_156 : vector<16xf32>
      %parallel_loop3A_158 = arith.minimumf %parallel_loop3A_127, %broadcast_in_dim3A_44 : vector<16xf32>
      %parallel_loop3A_159 = math.exp %parallel_loop3A_158 : vector<16xf32>
      %parallel_loop3A_160 = arith.mulf %parallel_loop3A_159, %parallel_loop3A_148 : vector<16xf32>
      %parallel_loop3A_161 = arith.constant 5.000000e-01 : f32
      %parallel_loop3A_162 = vector.broadcast %parallel_loop3A_161 : f32 to vector<16xf32>
      %parallel_loop3A_163 = arith.mulf %parallel_loop3A_160, %parallel_loop3A_162 : vector<16xf32>
      %parallel_loop3A_164 = arith.minimumf %parallel_loop3A_131, %broadcast_in_dim3A_44 : vector<16xf32>
      %parallel_loop3A_165 = math.exp %parallel_loop3A_164 : vector<16xf32>
      %parallel_loop3A_166 = arith.mulf %parallel_loop3A_165, %parallel_loop3A_149 : vector<16xf32>
      %parallel_loop3A_167 = arith.constant 5.000000e-01 : f32
      %parallel_loop3A_168 = vector.broadcast %parallel_loop3A_167 : f32 to vector<16xf32>
      %parallel_loop3A_169 = arith.mulf %parallel_loop3A_166, %parallel_loop3A_168 : vector<16xf32>
      %parallel_loop3A_170 = arith.mulf %parallel_loop3A_119, %parallel_loop3A_148 : vector<16xf32>
      %parallel_loop3A_171 = arith.addf %parallel_loop3A_170, %parallel_loop3A_153 : vector<16xf32>
      %parallel_loop3A_172 = arith.mulf %parallel_loop3A_123, %parallel_loop3A_149 : vector<16xf32>
      %parallel_loop3A_173 = arith.addf %parallel_loop3A_172, %parallel_loop3A_157 : vector<16xf32>
      %parallel_loop3A_174 = arith.cmpf one, %parallel_loop3A_119, %broadcast_in_dim3A_46 : vector<16xf32>
      %parallel_loop3A_175 = arith.subf %parallel_loop3A_171, %parallel_loop3A_163 : vector<16xf32>
      %parallel_loop3A_176 = arith.select %parallel_loop3A_174, %parallel_loop3A_175, %broadcast_in_dim3A_46 : vector<16xi1>, vector<16xf32>
      %parallel_loop3A_177 = arith.constant 0 : i32
      %parallel_loop3A_178 = arith.index_cast %parallel_loop3A_177 : i32 to index
      %parallel_loop3A_179 = arith.index_cast %parallel_loop3A_115 : i32 to index
      %parallel_loop3A_180 = tpu.vector_load %arg7[%parallel_loop3A_178, %parallel_loop3A_179] {strides = array<i32>} : memref<4x1280xf32, #tpu.memory_space<vmem>>, vector<16xf32>,
      tpu.vector_store %arg7[%parallel_loop3A_178, %parallel_loop3A_179], %parallel_loop3A_176 {strides = array<i32>} : memref<4x1280xf32, #tpu.memory_space<vmem>>, vector<16xf32>,
      %parallel_loop3A_181 = arith.subf %parallel_loop3A_173, %parallel_loop3A_169 : vector<16xf32>
      %parallel_loop3A_182 = arith.select %parallel_loop3A_174, %parallel_loop3A_181, %broadcast_in_dim3A_46 : vector<16xi1>, vector<16xf32>
      %parallel_loop3A_183 = arith.constant 1 : i32
      %parallel_loop3A_184 = arith.index_cast %parallel_loop3A_183 : i32 to index
      %parallel_loop3A_185 = arith.index_cast %parallel_loop3A_115 : i32 to index
      %parallel_loop3A_186 = tpu.vector_load %arg7[%parallel_loop3A_184, %parallel_loop3A_185] {strides = array<i32>} : memref<4x1280xf32, #tpu.memory_space<vmem>>, vector<16xf32>,
      tpu.vector_store %arg7[%parallel_loop3A_184, %parallel_loop3A_185], %parallel_loop3A_182 {strides = array<i32>} : memref<4x1280xf32, #tpu.memory_space<vmem>>, vector<16xf32>,
      %parallel_loop3A_187 = arith.addf %parallel_loop3A_171, %parallel_loop3A_163 : vector<16xf32>
      %parallel_loop3A_188 = arith.select %parallel_loop3A_174, %parallel_loop3A_187, %broadcast_in_dim3A_46 : vector<16xi1>, vector<16xf32>
      %parallel_loop3A_189 = arith.constant 2 : i32
      %parallel_loop3A_190 = arith.index_cast %parallel_loop3A_189 : i32 to index
      %parallel_loop3A_191 = arith.index_cast %parallel_loop3A_115 : i32 to index
      %parallel_loop3A_192 = tpu.vector_load %arg7[%parallel_loop3A_190, %parallel_loop3A_191] {strides = array<i32>} : memref<4x1280xf32, #tpu.memory_space<vmem>>, vector<16xf32>,
      tpu.vector_store %arg7[%parallel_loop3A_190, %parallel_loop3A_191], %parallel_loop3A_188 {strides = array<i32>} : memref<4x1280xf32, #tpu.memory_space<vmem>>, vector<16xf32>,
      %parallel_loop3A_193 = arith.addf %parallel_loop3A_173, %parallel_loop3A_169 : vector<16xf32>
      %parallel_loop3A_194 = arith.select %parallel_loop3A_174, %parallel_loop3A_193, %broadcast_in_dim3A_46 : vector<16xi1>, vector<16xf32>
      %parallel_loop3A_195 = arith.constant 3 : i32
      %parallel_loop3A_196 = arith.index_cast %parallel_loop3A_195 : i32 to index
      %parallel_loop3A_197 = arith.index_cast %parallel_loop3A_115 : i32 to index
      %parallel_loop3A_198 = tpu.vector_load %arg7[%parallel_loop3A_196, %parallel_loop3A_197] {strides = array<i32>} : memref<4x1280xf32, #tpu.memory_space<vmem>>, vector<16xf32>,
      tpu.vector_store %arg7[%parallel_loop3A_196, %parallel_loop3A_197], %parallel_loop3A_194 {strides = array<i32>} : memref<4x1280xf32, #tpu.memory_space<vmem>>, vector<16xf32>,
    } {sc.loop_unroll_factor = 1 : i64, sc.parallel_access}
    %add3A_101 = arith.constant 640 : i32
    %add3A_102 = arith.addi %multiple_of3A, %add3A_101 : i32
    "tpu.region"() ({
      %run_scoped3A = tpu.sem_alloc : memref<!tpu.dma_semaphore, #tpu.memory_space<semaphore_mem>>
      %dma_start3A_113 = arith.constant 0 : i32
      %dma_start3A_114 = arith.constant 640 : i32
      %dma_start3A_115 = tpu.memref_slice %arg7[%dma_start3A_113, %dma_start3A_114] : memref<4x1280xf32, #tpu.memory_space<vmem>> -> memref<4x640xf32, #tpu.memory_space<vmem>>
      %dma_start3A_116 = arith.constant 0 : i32
      %dma_start3A_117 = tpu.memref_slice %arg4[%dma_start3A_116, %add3A_102] : memref<4x20000xf32, #tpu.memory_space<hbm>> -> memref<4x640xf32, #tpu.memory_space<hbm>>
      %dma_start3A_118 = arith.constant 0 : i32
      %dma_start3A_119 = tpu.memref_slice %arg4[%dma_start3A_118, %add3A_102] : memref<4x20000xf32, #tpu.memory_space<hbm>> -> memref<4x640xf32, #tpu.memory_space<hbm>>
      %dma_start3A_120 = arith.constant 0 : i32
      %dma_start3A_121 = arith.constant 640 : i32
      %dma_start3A_122 = tpu.memref_slice %arg7[%dma_start3A_120, %dma_start3A_121] : memref<4x1280xf32, #tpu.memory_space<vmem>> -> memref<4x640xf32, #tpu.memory_space<vmem>>
      tpu.enqueue_dma source(%dma_start3A_122 : memref<4x640xf32, #tpu.memory_space<vmem>>) target(%dma_start3A_119 : memref<4x640xf32, #tpu.memory_space<hbm>>) target_semaphore(%run_scoped3A : memref<!tpu.dma_semaphore, #tpu.memory_space<semaphore_mem>>)
      %dma_wait3A_123 = arith.constant 0 : i32
      %dma_wait3A_124 = arith.constant 640 : i32
      %dma_wait3A_125 = tpu.memref_slice %arg7[%dma_wait3A_123, %dma_wait3A_124] : memref<4x1280xf32, #tpu.memory_space<vmem>> -> memref<4x640xf32, #tpu.memory_space<vmem>>
      %dma_wait3A_126 = arith.constant 0 : i32
      %dma_wait3A_127 = tpu.memref_slice %arg4[%dma_wait3A_126, %add3A_102] : memref<4x20000xf32, #tpu.memory_space<hbm>> -> memref<4x640xf32, #tpu.memory_space<hbm>>
      %dma_wait3A_128 = arith.constant 0 : i32
      %dma_wait3A_129 = tpu.memref_slice %arg4[%dma_wait3A_128, %add3A_102] : memref<4x20000xf32, #tpu.memory_space<hbm>> -> memref<4x640xf32, #tpu.memory_space<hbm>>
      %dma_wait3A_130 = arith.constant 0 : i32
      %dma_wait3A_131 = arith.constant 640 : i32
      %dma_wait3A_132 = tpu.memref_slice %arg7[%dma_wait3A_130, %dma_wait3A_131] : memref<4x1280xf32, #tpu.memory_space<vmem>> -> memref<4x640xf32, #tpu.memory_space<vmem>>
      tpu.wait_dma2 semaphore(%run_scoped3A : memref<!tpu.dma_semaphore, #tpu.memory_space<semaphore_mem>>) src(%dma_wait3A_132 : memref<4x640xf32, #tpu.memory_space<vmem>>) dst(%dma_wait3A_129 : memref<4x640xf32, #tpu.memory_space<hbm>>)
      tpu.yield
    }) : () -> ()
    %dma_wait3A_103 = arith.constant 0 : i32
    %dma_wait3A_104 = arith.constant 0 : i32
    %dma_wait3A_105 = tpu.memref_slice %arg7[%dma_wait3A_103, %dma_wait3A_104] : memref<4x1280xf32, #tpu.memory_space<vmem>> -> memref<4x640xf32, #tpu.memory_space<vmem>>
    %dma_wait3A_106 = arith.constant 0 : i32
    %dma_wait3A_107 = tpu.memref_slice %arg4[%dma_wait3A_106, %multiple_of3A] : memref<4x20000xf32, #tpu.memory_space<hbm>> -> memref<4x640xf32, #tpu.memory_space<hbm>>
    %dma_wait3A_108 = arith.constant 0 : i32
    %dma_wait3A_109 = tpu.memref_slice %arg4[%dma_wait3A_108, %multiple_of3A] : memref<4x20000xf32, #tpu.memory_space<hbm>> -> memref<4x640xf32, #tpu.memory_space<hbm>>
    %dma_wait3A_110 = arith.constant 0 : i32
    %dma_wait3A_111 = arith.constant 0 : i32
    %dma_wait3A_112 = tpu.memref_slice %arg7[%dma_wait3A_110, %dma_wait3A_111] : memref<4x1280xf32, #tpu.memory_space<vmem>> -> memref<4x640xf32, #tpu.memory_space<vmem>>
    tpu.wait_dma2 semaphore(%arg10 : memref<!tpu.dma_semaphore, #tpu.memory_space<semaphore_mem>>) src(%dma_wait3A_112 : memref<4x640xf32, #tpu.memory_space<vmem>>) dst(%dma_wait3A_109 : memref<4x640xf32, #tpu.memory_space<hbm>>)
    return
  }
}

</mosaic_0001>

<sc_bundles>
// kernel: kernel.3.cloned.1.call-start
scs
__scs_entry_jumppad:
0x0: {  	(pc) =	sbr.rel $0x88, $3  }
0x1: {  	(tag) =	ssettag $0x0;
	lr =	simm.s32 $0x1  }
0x2: {  	[smem:$0x3F9F] =	sst lr;
	_ =	strace $0xD0000000  }
0x3: {  	_ = 	snop  }
0x4: {  	_ = 	snop  }
0x5: {  	_ = 	snop  }
0x6: {  	_ = 	snop  }
0x7: {  	_ = 	snop  }
__scs_overlays_trampoline_lowered:
0x8: {  	[smem:$0x3FAE] =	sst s0  }
0x9: {  	[smem:$0x3FAF] =	sst s1  }
0xa: {  	[smem:$0x3FB0] =	sst s2  }
0xb: {  	[smem:$0x3FB1] =	sst s3  }
0xc: {  	[smem:$0x3FB2] =	sst s4  }
0xd: {  	[smem:$0x3FB3] =	sst s5  }
0xe: {  	[smem:$0x3FB4] =	sst s6  }
0xf: {  	[smem:$0x3FB5] =	sst s7  }
0x10: {  	[smem:$0x3FB6] =	sst s8  }
0x11: {  	[smem:$0x3FB7] =	sst s9;
	s0 =	simm.s32 @!p0 $0x0  }
0x12: {  	s1 =	sld [smem:$0x3F9D];
	s0 =	simm.s32 @p0 $0x1  }
0x13: {  	[smem:$0x3FB8] =	sst s0;
	s0 =	simm.s32 @!p1 $0x0  }
0x14: {  	s2 =	sld [smem:$0x3F9C];
	s0 =	simm.s32 @p1 $0x1  }
0x15: {  	[smem:$0x3FB9] =	sst s0;
	s0 =	simm.s32 @!p2 $0x0  }
0x16: {  	s3 =	sld [smem:$0x3FDB];
	s0 =	simm.s32 @p2 $0x1  }
0x17: {  	s4 =	simm.s32 $0x1BF5;
	[smem:$0x3FBB] =	sst s0  }
0x18: {  	s0 =	sld [smem:$0x3F9E];
	_ =	swait.ge [sflag:s4], $0x0  }
0x19: {  	s7 =	sld [smem:$0x3F9F]  }
0x1a: {  	s8 =	sadd.s32 $0xFFFFE003, lr  }
0x1b: {  	s9 =	sadd.s32 $0xFFFFFEF7, lr;
	s5 =	simm.s32 $0xFFFFFFFF;
	p2 =	slt.u32 s8, $0xFFFFF086  }
0x1c: {  	p1 =	slt.u32 s9, $0xF7A;
	s5 =	simm.s32 @!p2 $0x0  }
0x1d: {  	s5 =	simm.s32 @p1 $0x1;
	p0 =	seq.s32 s7, s2  }
0x1e: {  	s7 =	smul.u32 @!p0 $0xF7A, s2;
	p2 =	seq.s32 @!p0 s5, $0x0  }
0x1f: {  	s9 =	smul.u32 $0xF7A, s1;
	s8 =	simm.s32 @!p0 $0x1BF5;
	p2 =	por !p2, p0  }
0x20: {  	[sflag:s8] =	ssyncset.s32 @!p0 $0xFFFFF086;
	s6 =	sadd.s32 @!p0 s3, s7;
	s7 =	simm.s32 @!p0 $0x108  }
0x21: {  	s3 =	sadd.s32 s3, s9;
	s6 =	sadd.s32 @!p0 $0x88, s6;
	s7 =	simm.s32 @p2 $0x1082  }
0x22: {  	[simem:s7], [sflag:s8] =	dma.local @!p0 [hbm:s6], $0xF7A  }
0x23: {  	s9 =	sor.u32 $0xD0000000, s2;
	s6 =	simm.s32 $0x108;
	_ =	swait.ge @!p0 [sflag:s8], $0x0  }
0x24: {  	s3 =	sadd.s32 $0x88, s3;
	s6 =	simm.s32 @!p1 $0x1082;
	[sflag:s4] =	ssyncset.s32 $0xFFFFF086  }
0x25: {  	[simem:s6], [sflag:s4] =	dma.local [hbm:s3], $0xF7A  }
0x26: {  	[smem:$0x3F9F] =	sst s1;
	(tag) =	ssettag s2;
	_ =	strace s9  }
0x27: {  	s1 =	sld [smem:$0x3FAF]  }
0x28: {  	s2 =	sld [smem:$0x3FB0]  }
0x29: {  	s4 =	sld [smem:$0x3FB2]  }
0x2a: {  	p0 =	seq.s32 s5, $0x0;
	s5 =	sld [smem:$0x3FB3]  }
0x2b: {  	s6 =	sld [smem:$0x3FB4]  }
0x2c: {  	s7 =	sld [smem:$0x3FB5]  }
0x2d: {  	s3 =	simm.s32 $0x108;
	s8 =	sld [smem:$0x3FB6]  }
0x2e: {  	s3 =	simm.s32 @!p0 $0x1082;
	s9 =	sld [smem:$0x3FB7]  }
0x2f: {  	lr =	sadd.s32 s0, s3;
	s0 =	sld [smem:$0x3FAE]  }
0x30: {  	s3 =	sld [smem:$0x3FB1]  }
0x31: {  	[smem:$0x3FBA] =	sst s10  }
0x32: {  	s10 =	sld [smem:$0x3FB8];
	_ =	sdelay $0x3  }
0x33: {  	p0 =	seq.s32 s10, $0x1;
	s10 =	sld [smem:$0x3FBA];
	_ =	sdelay $0x3  }
0x34: {  	[smem:$0x3FBA] =	sst s10  }
0x35: {  	s10 =	sld [smem:$0x3FB9];
	_ =	sdelay $0x3  }
0x36: {  	p1 =	seq.s32 s10, $0x1;
	s10 =	sld [smem:$0x3FBA];
	_ =	sdelay $0x3  }
0x37: {  	[smem:$0x3FBA] =	sst s10  }
0x38: {  	s10 =	sld [smem:$0x3FBB]  }
0x39: {  	_ = 	snop;
	(pc) =	sbr.ind lr, $3  }
0x3a: {  	_ = 	snop  }
0x3b: {  	_ = 	snop  }
0x3c: {  	p2 =	seq.s32 s10, $0x1;
	s10 =	sld [smem:$0x3FBA]  }
0x3d: {  	_ =	shalt  }
0x3e: {  	_ =	shalt  }
0x3f: {  	_ =	shalt  }
0x40: {  	_ =	shalt  }
0x41: {  	_ =	shalt  }
0x42: {  	_ =	shalt  }
0x43: {  	_ =	shalt  }
0x44: {  	_ =	shalt  }
0x45: {  	_ =	shalt  }
0x46: {  	_ =	shalt  }
0x47: {  	_ =	shalt  }
0x48: {  	_ =	shalt  }
0x49: {  	_ =	shalt  }
0x4a: {  	_ =	shalt  }
0x4b: {  	_ =	shalt  }
0x4c: {  	_ =	shalt  }
0x4d: {  	_ =	shalt  }
0x4e: {  	_ =	shalt  }
0x4f: {  	_ =	shalt  }
0x50: {  	_ =	shalt  }
0x51: {  	_ =	shalt  }
0x52: {  	_ =	shalt  }
0x53: {  	_ =	shalt  }
0x54: {  	_ =	shalt  }
0x55: {  	_ =	shalt  }
0x56: {  	_ =	shalt  }
0x57: {  	_ =	shalt  }
0x58: {  	_ =	shalt  }
0x59: {  	_ =	shalt  }
0x5a: {  	_ =	shalt  }
0x5b: {  	_ =	shalt  }
0x5c: {  	_ =	shalt  }
0x5d: {  	_ =	shalt  }
0x5e: {  	_ =	shalt  }
0x5f: {  	_ =	shalt  }
0x60: {  	_ =	shalt  }
0x61: {  	_ =	shalt  }
0x62: {  	_ =	shalt  }
0x63: {  	_ =	shalt  }
0x64: {  	_ =	shalt  }
0x65: {  	_ =	shalt  }
0x66: {  	_ =	shalt  }
0x67: {  	_ =	shalt  }
0x68: {  	_ =	shalt  }
0x69: {  	_ =	shalt  }
0x6a: {  	_ =	shalt  }
0x6b: {  	_ =	shalt  }
0x6c: {  	_ =	shalt  }
0x6d: {  	_ =	shalt  }
0x6e: {  	_ =	shalt  }
0x6f: {  	_ =	shalt  }
0x70: {  	_ =	shalt  }
0x71: {  	_ =	shalt  }
0x72: {  	_ =	shalt  }
0x73: {  	_ =	shalt  }
0x74: {  	_ =	shalt  }
0x75: {  	_ =	shalt  }
0x76: {  	_ =	shalt  }
0x77: {  	_ =	shalt  }
0x78: {  	_ =	shalt  }
0x79: {  	_ =	shalt  }
0x7a: {  	_ =	shalt  }
0x7b: {  	_ =	shalt  }
0x7c: {  	_ =	shalt  }
0x7d: {  	_ =	shalt  }
0x7e: {  	_ =	shalt  }
0x7f: {  	_ =	shalt  }
0x80: {  	_ =	shalt  }
0x81: {  	_ =	shalt  }
0x82: {  	_ =	shalt  }
0x83: {  	_ =	shalt  }
0x84: {  	_ =	shalt  }
0x85: {  	_ =	shalt  }
0x86: {  	_ =	shalt  }
0x87: {  	_ =	shalt  }
.Lfunc_end0:
.L_simem_size_0:
called_computation_lowered:
.L_overlay_start_0:
0x88: {  	s0 =	sld [smem:$0x3FD9]  }
0x89: {  	s1 =	sld [smem:$0x3FFE];
	_ =	sdelay $0x3  }
0x8a: {  	s0 =	sadd.s32 s1, s0  }
0x8b: {  	[smem:$0x3FC6] =	sst s0  }
0x8c: {  	_ = 	snop  }
0x8d: {  	s0 =	sld [smem:$0x3FC9]  }
0x8e: {  	s17 =	sld [smem:$0x3FC8]  }
0x8f: {  	s2 =	sld [smem:$0x3FD0];
	(tm) =	ssettm $0x1  }
0x90: {  	s3 =	sld [smem:$0x3FFB];
	_ =	sdelay $0x3  }
0x91: {  	_ =	strace s3  }
0x92: {  	s3 =	sld [smem:$0x3FFC];
	_ =	sdelay $0x3  }
0x93: {  	_ =	strace s3  }
0x94: {  	s3 =	sld [smem:$0x3FFD];
	_ =	sdelay $0x3  }
0x95: {  	_ =	strace s3  }
0x96: {  	_ =	strace $0x8FFFFFFF  }
0x97: {  	s18 =	sld [smem:$0x3FDB];
	_ =	sdelay $0x1  }
0x98: {  	s4 =	simm.s32 $_scs_section_size  }
0x99: {  	s5 =	simm.s32 $_size__tile_overlayer_lowered;
	s6 =	simm.s32 $_tile_overlayer_lowered  }
0x9a: {  	s21 =	simm.s32 $0x1BFF;
	s20 =	sshll.u32 s6, $0x1;
	s3 =	sadd.s32 s4, s18  }
0x9b: {  	s7 =	simm.s32 $0x0;
	s19 =	sshll.u32 s5, $0x1;
	s5 =	sadd.s32 s20, s3  }
0x9c: {  	[timem:s7], [sflag:s21] =	dma.local [hbm:s5], s19  }
0x9d: {  	_ =	swait.ge [sflag:s21], s19  }
0x9e: {  	s4 =	ssub.s32 $0x0, s19;
	[sflag:s21] =	ssyncset.done $0x0  }
0x9f: {  	[sflag:s21] =	ssyncadd.s32 s4;
	_ =	sdelay $0x1  }
0xa0: {  	s22 =	simm.s32 $0x1B8B  }
0xa1: {  	_ =	swait.ge [sflag:s22], $0x1  }
0xa2: {  	[sflag:s22] =	ssyncset.done $0x0  }
0xa3: {  	s23 =	simm.s32 $0x1B8E;
	[sflag:s22] =	ssyncadd.s32 $0xFFFFFFFF  }
0xa4: {  	s24 =	simm.s32 $execute0_lowered;
	[smem:$0x3FD2] =	sst s23  }
0xa5: {  	s4 =	sshll.u32 s24, $0x1;
	_ =	strace $0x80000046;
	[dreg:$0x1] =	wrdreg $0xFFFFFFFF  }
0xa6: {  	s25 =	simm.s32 $_size_execute0_lowered;
	s3 =	sadd.s32 s3, s4;
	[dreg:$0x0] =	wrdreg $0x0  }
0xa7: {  	s4 =	sshll.u32 s25, $0x1;
	[dreg:$0x2] =	wrdreg s3  }
0xa8: {  	[dreg:$0x3] =	wrdreg s4  }
0xa9: {  	[dreg:$0x4] =	wrdreg $0xC0  }
0xaa: {  	_ =	task [dreg:s7], $0x5FFFF  }
0xab: {  	[dreg:$0x1] =	wrdreg $0xFFFFFFFF  }
0xac: {  	[dreg:$0x0] =	wrdreg $0x60  }
0xad: {  	[dreg:$0x2] =	wrdreg s0  }
0xae: {  	[dreg:$0x3] =	wrdreg s17  }
0xaf: {  	[dreg:$0x4] =	wrdreg s2  }
0xb0: {  	[dreg:$0x5] =	wrdreg $0x9  }
0xb1: {  	_ =	task.clear_ibuf [dreg:s7], $0x6FFFF;
	_ =	strace $0x90000046  }
0xb2: {  	s26 =	simm.s32 $0x9;
	_ =	strace $0x80000048  }
0xb3: {  	_ =	swait.ge [sflag:s26], $0x1  }
0xb4: {  	[sflag:s26] =	ssyncadd.s32 $0xFFFFFFFF  }
0xb5: {  	_ =	strace $0x90000048  }
0xb6: {  	_ =	sfence  }
0xb7: {  	s28 =	sld [smem:$0x0];
	_ =	sdelay $0x1  }
0xb8: {  	s29 =	srdreg.scid  }
0xb9: {  	s30 =	sshll.u32 s29, $0xD;
	s31 =	sshrl.u32 s29, $0x2  }
0xba: {  	s1 =	sand.u32 $0x1, s29;
	s2 =	sand.u32 $0x4000, s30;
	s0 =	sadd.s32 s31, s28  }
0xbb: {  	s1 =	sor.u32 s2, s1;
	s0 =	sshll.u32 s0, $0x11  }
0xbc: {  	s0 =	sor.u32 s0, s1  }
0xbd: {  	s0 =	sadd.s32 $0x8F2B, s0  }
0xbe: {  	[sflag:s0] =	ssyncadd.remote.s32 $0x1  }
0xbf: {  	_ =	sfence.sel $0xFFFF  }
0xc0: {  	[dreg:$0x0] =	wrdreg $0xFFFFFFFF;
	(pc) =	sbr.abs _section_cstart, $3  }
0xc1: {  	[dreg:$0x1] =	wrdreg $0xFFFFFFFF  }
0xc2: {  	_ =	task.clear_ibuf [dreg:s7], $0x2FFFF;
	_ =	strace $0x9FFFFFFF  }
0xc3: {  	(tm) =	ssettm $0x7FFFFFFF  }
tec
execute0_lowered:
.L_overlay_start_1:
0x0: {  	(tag) =	ssettag $0x1  }
0x1: {  	s0 =	stileid.u32  }
0x2: {  	s5 =	rddreg [dreg:$0x0];
	s3 =	smul.u32 $0x500, s0  }
0x3: {  	s6 =	rddreg [dreg:$0x1]  }
0x4: {  	s2 =	rddreg [dreg:$0x2];
	s7 =	simm.s32 $0x0;
	s3 =	smin.u32 s3, $0x4980  }
0x5: {  	[smem:$0x7FF] =	sst s7;
	s4 =	sshrl.u32 s3, $0x1  }
0x6: {  	s1 =	rddreg [dreg:$0x3];
	_ =	strace $0x80000047;
	s3 =	sadd.s32 s5, s4  }
0x7: {  	[tilespmem:s7], [sflag:$0x1] =	stream.linear.gather [hbm4b:s3+s7], $0xA00, $0x38;
	[tilespmem:$0x3C00] =	vst v63  }
0x8: {  	s9 =	simm.s32 $0x1400;
	s8 =	sadd.s32 s6, s4;
	s3 =	sadd.s32 $0x140, s4  }
0x9: {  	[tilespmem:s9], [sflag:$0x1] =	stream.linear.gather [hbm4b:s8+s7], $0xA00, $0x38;
	[tilespmem:$0x3C00] =	vst v63  }
0xa: {  	s21 =	simm.s32 $0xA00;
	s5 =	sadd.s32 s5, s3  }
0xb: {  	[tilespmem:s21], [sflag:$0x2] =	stream.linear.gather [hbm4b:s5+s7], $0xA00, $0x38;
	[tilespmem:$0x3C00] =	vst v63  }
0xc: {  	s23 =	simm.s32 $0x1E00;
	s24 =	simm.s32 $0x1;
	s22 =	sadd.s32 s6, s3  }
0xd: {  	[tilespmem:s23], [sflag:$0x2] =	stream.linear.gather [hbm4b:s22+s7], $0xA00, $0x38;
	[tilespmem:$0x3C00] =	vst v63  }
0xe: {  	_ =	swait.ge [sflag:s24], $0xA00  }
0xf: {  	[sflag:s24] =	ssyncset.done $0x0  }
0x10: {  	[sflag:s24] =	ssyncadd.s32 $0xFFFFF600  }
0x11: {  	_ =	swait.ge [sflag:s24], $0xA00  }
0x12: {  	s25 =	sand.u32 $0x70, s7;
	s7 =	sand.u32 $0xE00, s7;
	[sflag:s24] =	ssyncset.done $0x0  }
0x13: {  	s6 =	sor.u32 s25, s7;
	[sflag:s24] =	ssyncadd.s32 $0xFFFFF600  }
0x14: {  	v0 =	vld [tilespmem:s6+$0x180];
	_ =	sdelay $0x3  }
0x15: {  	v1 =	vld [tilespmem:s6+$0x100]  }
0x16: {  	v0 =	vmin.f32 v0, $3.332204580e+00  }
0x17: {  	s26 =	simm.s32 $0x10;
	s28 =	simm.s32 $0x40;
	v2 =	vld [tilespmem:s6+$0x1400];
	v0 =	vmul.f32 $1.442695020e+00, v0  }
0x18: {  	s5 =	sand.u32 $0x70, s26;
	s7 =	sand.u32 $0xE00, s28;
	v3 =	vld [tilespmem:s6+$0x1500]  }
0x19: {  	s5 =	sor.u32 s5, s7;
	v4 =	vld [tilespmem:s6+$0x1580];
	(erf) = vpow2.f32 v0  }
0x1a: {  	v5 =	vld [tilespmem:s5+$0x180];
	v0 =	vmin.f32 v1, $3.332204580e+00  }
0x1b: {  	v1 =	vld [tilespmem:s6+$0x1480];
	v0 =	vmul.f32 $1.442695020e+00, v0  }
0x1c: {  	v6 =	vld [tilespmem:s6+$0x80]  }
0x1d: {  	v7 =	vld [tilespmem:s5+$0x1400];
	(erf) = vpow2.f32 v0  }
0x1e: {  	v0 =	vld [tilespmem:s5+$0x100]  }
0x1f: {  	v8 =	vld [tilespmem:s5+$0x1500];
	v5 =	vmin.f32 v5, $3.332204580e+00  }
0x20: {  	v5 =	vmul.f32 $1.442695020e+00, v5;
	v9 =	vadd.f32 v4, v1  }
0x21: {  	v10 =	vld [tilespmem:s6+$0x0];
	v1 =	vsub.f32 v4, v1;
	v4 =	vsub.f32 v3, v2  }
0x22: {  	s29 =	simm.s32 $0x20;
	s30 =	simm.s32 $0x80;
	v2 =	vadd.f32 v3, v2;
	v3 =	vmul.f32 $5.000000000e-01, v9;
	v11 =	vpop (erf);
	(erf) = vpow2.f32 v5  }
0x23: {  	s8 =	sand.u32 $0xE00, s30;
	s7 =	sand.u32 $0x70, s29;
	v12 =	vld [tilespmem:s5+$0x1580];
	v0 =	vmin.f32 v0, $3.332204580e+00;
	v9 =	vmul.f32 v1, v11;
	v1 =	vmul.f32 v1, v6  }
0x24: {  	s7 =	sor.u32 s7, s8;
	v5 =	vmul.f32 $5.000000000e-01, v2;
	v2 =	vmul.f32 $1.442695020e+00, v0;
	v0 =	vsub.f32 v8, v7;
	v6 =	vld [tilespmem:s5+$0x1480]  }
0x25: {  	v3 =	vadd.f32 v3, v1;
	v1 =	vadd.f32 v8, v7;
	v7 =	vld [tilespmem:s7+$0x180]  }
0x26: {  	vm0 =	vlt.f32 v10, $-1.000000000e+08;
	v11 =	vpop (erf);
	v9 =	vmul.f32 $5.000000000e-01, v9;
	(erf) = vpow2.f32 v2  }
0x27: {  	vm1 =	vgt.f32 v10, $-1.000000000e+08;
	v2 =	vmul.f32 v4, v11;
	v11 =	vld [tilespmem:s7+$0x100];
	v4 =	vmul.f32 v4, v10  }
0x28: {  	vm1 =	vmor vm1, vm0;
	v10 =	vld [tilespmem:s5+$0x80];
	v8 =	vadd.f32 v9, v3;
	v3 =	vsub.f32 v3, v9  }
0x29: {  	vm0 =	vmmov vm1;
	v9 =	vmul.f32 $5.000000000e-01, v2;
	v5 =	vadd.f32 v5, v4  }
0x2a: {  	v2 =	vld [tilespmem:s7+$0x1400];
	v13 =	vadd.f32 v12, v6;
	v14 =	vnsel vm0, $0xCCBEBC20, v3;
	v3 =	vmin.f32 v7, $3.332204580e+00  }
0x2b: {  	v1 =	vmul.f32 $5.000000000e-01, v1;
	v4 =	vld [tilespmem:s7+$0x1500];
	v6 =	vsub.f32 v12, v6  }
0x2c: {  	v8 =	vnsel vm1, $0xCCBEBC20, v8;
	v63 =	vsub.f32 v5, v9;
	v13 =	vmul.f32 $5.000000000e-01, v13  }
0x2d: {  	v7 =	vld [tilespmem:s5+$0x0];
	v11 =	vmin.f32 v11, $3.332204580e+00;
	v15 =	vmul.f32 $1.442695020e+00, v3;
	v16 =	vmul.f32 v6, v10;
	v3 =	vpop (erf)  }
0x2e: {  	[tilespmem:s6+$0x2980] =	vst v8;
	v10 =	vmul.f32 $1.442695020e+00, v11;
	v8 =	vmul.f32 v6, v3  }
0x2f: {  	s31 =	simm.s32 $0x30;
	s8 =	simm.s32 $0xC0;
	[tilespmem:s6+$0x2880] =	vst v14;
	v12 =	vnsel vm0, $0xCCBEBC20, v63;
	(erf) = vpow2.f32 v15;
	v3 =	vadd.f32 v9, v5  }
0x30: {  	s10 =	sand.u32 $0x70, s31;
	s9 =	simm.s32 $0x40;
	s11 =	sand.u32 $0xE00, s8;
	[tilespmem:s6+$0x2800] =	vst v12;
	v11 =	vpop (erf);
	v5 =	vld [tilespmem:s7+$0x1480];
	v6 =	vsub.f32 v4, v2;
	v9 =	vadd.f32 v13, v16;
	v8 =	vmul.f32 $5.000000000e-01, v8  }
.LBB2_1:
0x31: {  	p0 =	sne.s32 s9, $0x270;
	s10 =	sor.u32 s10, s11;
	v12 =	vld [tilespmem:s7+$0x1580];
	v2 =	vadd.f32 v4, v2;
	(erf) = vpow2.f32 v10;
	v4 =	vmul.f32 v0, v11  }
0x32: {  	v10 =	vld [tilespmem:s10+$0x180];
	vm1 =	vlt.f32 v7, $-1.000000000e+08;
	vm2 =	vgt.f32 v7, $-1.000000000e+08;
	v11 =	vadd.f32 v8, v9  }
0x33: {  	v7 =	vmul.f32 v0, v7;
	v0 =	vmovc v6;
	v13 =	vld [tilespmem:s10+$0x100];
	v14 =	vmul.f32 $5.000000000e-01, v2;
	vm1 =	vmor vm2, vm1  }
0x34: {  	v8 =	vsub.f32 v9, v8;
	v15 =	vmul.f32 $5.000000000e-01, v4;
	v6 =	vld [tilespmem:s7+$0x80];
	v4 =	vnsel vm1, $0xCCBEBC20, v11  }
0x35: {  	v3 =	vnsel vm0, $0xCCBEBC20, v3;
	v9 =	vadd.f32 v1, v7;
	vm0 =	vmmov vm1;
	v2 =	vld [tilespmem:s10+$0x1400];
	[tilespmem:s5+$0x2980] =	vst v4;
	v1 =	vmovc v14  }
0x36: {  	v7 =	vnsel vm0, $0xCCBEBC20, v8;
	v4 =	vld [tilespmem:s10+$0x1500];
	v11 =	vadd.f32 v12, v5;
	[tilespmem:s6+$0x2900] =	vst v3;
	s6 =	smov.u32 s5;
	s5 =	smov.u32 s7;
	s7 =	smov.u32 s10  }
.Ltmp0:
0x37: {  	v5 =	vsub.f32 v12, v5;
	v8 =	vsub.f32 v9, v15;
	v14 =	vmin.f32 v10, $3.332204580e+00;
	[tilespmem:s6+$0x2880] =	vst v7;
	(pc) =	sbr.rel @p0 .LBB2_1-.Ltmp0, $4  }
0x38: {  	v10 =	vmin.f32 v13, $3.332204580e+00;
	v12 =	vmul.f32 $1.442695020e+00, v14;
	v7 =	vld [tilespmem:s5+$0x0];
	v13 =	vmul.f32 $5.000000000e-01, v11;
	v3 =	vpop (erf)  }
0x39: {  	v14 =	vmul.f32 v5, v3;
	v16 =	vmul.f32 v5, v6;
	v3 =	vadd.f32 v15, v9  }
0x3a: {  	s8 =	sadd.s32 $0x40, s8;
	v10 =	vmul.f32 $1.442695020e+00, v10;
	(erf) = vpow2.f32 v12;
	v11 =	vpop (erf);
	v12 =	vnsel vm0, $0xCCBEBC20, v8  }
0x3b: {  	s11 =	sand.u32 $0xE00, s8;
	s10 =	sand.u32 $0x70, s9;
	s9 =	sadd.s32 $0x10, s9;
	v5 =	vld [tilespmem:s7+$0x1480];
	v6 =	vsub.f32 v4, v2;
	v8 =	vmul.f32 $5.000000000e-01, v14;
	v9 =	vadd.f32 v13, v16;
	[tilespmem:s6+$0x2800] =	vst v12  }
0x3c: {  	s8 =	sor.u32 s10, s11;
	v13 =	vld [tilespmem:s7+$0x1580]  }
0x3d: {  	v12 =	vld [tilespmem:s8+$0x180]  }
0x3e: {  	v2 =	vadd.f32 v4, v2;
	(erf) = vpow2.f32 v10;
	v4 =	vmul.f32 v0, v11;
	v11 =	vld [tilespmem:s8+$0x100]  }
0x3f: {  	vm1 =	vlt.f32 v7, $-1.000000000e+08;
	vm2 =	vgt.f32 v7, $-1.000000000e+08;
	v0 =	vmul.f32 v0, v7;
	v7 =	vld [tilespmem:s7+$0x80]  }
0x40: {  	v10 =	vadd.f32 v8, v9;
	v8 =	vsub.f32 v9, v8  }
0x41: {  	v4 =	vmul.f32 $5.000000000e-01, v4;
	v0 =	vadd.f32 v1, v0;
	v1 =	vnsel vm0, $0xCCBEBC20, v3  }
0x42: {  	v9 =	vld [tilespmem:s8+$0x1400];
	v15 =	vadd.f32 v13, v5;
	v3 =	vsub.f32 v13, v5;
	v12 =	vmin.f32 v12, $3.332204580e+00  }
0x43: {  	v54 =	vld [tilespmem:s8+$0x1480];
	v55 =	vsub.f32 v0, v4;
	v12 =	vmul.f32 $1.442695020e+00, v12  }
0x44: {  	v5 =	vmin.f32 v11, $3.332204580e+00;
	v11 =	vld [tilespmem:s7+$0x0];
	v52 =	vmul.f32 $5.000000000e-01, v15;
	v53 =	vpop (erf);
	v7 =	vmul.f32 v3, v7  }
0x45: {  	v0 =	vadd.f32 v4, v0;
	v4 =	vld [tilespmem:s8+$0x1580];
	v3 =	vmul.f32 v3, v53;
	(erf) = vpow2.f32 v12  }
0x46: {  	v14 =	vld [tilespmem:s8+$0x1500];
	vm1 =	vmor vm2, vm1;
	v5 =	vmul.f32 $1.442695020e+00, v5  }
0x47: {  	v10 =	vnsel vm1, $0xCCBEBC20, v10;
	v7 =	vadd.f32 v52, v7;
	v56 =	vpop (erf);
	v3 =	vmul.f32 $5.000000000e-01, v3  }
0x48: {  	v58 =	vld [tilespmem:s8+$0x0];
	vm0 =	vmmov vm1;
	(erf) = vpow2.f32 v5;
	v13 =	vmul.f32 v6, v56  }
0x49: {  	vm1 =	vlt.f32 v11, $-1.000000000e+08;
	vm2 =	vgt.f32 v11, $-1.000000000e+08;
	v57 =	vadd.f32 v3, v7  }
0x4a: {  	v6 =	vmul.f32 v6, v11;
	v11 =	vld [tilespmem:s8+$0x80];
	v3 =	vsub.f32 v7, v3;
	v7 =	vadd.f32 v4, v54  }
0x4b: {  	v2 =	vmul.f32 $5.000000000e-01, v2;
	v5 =	vsub.f32 v14, v9;
	v9 =	vadd.f32 v14, v9  }
0x4c: {  	v8 =	vnsel vm0, $0xCCBEBC20, v8;
	v0 =	vnsel vm0, $0xCCBEBC20, v0;
	v12 =	vnsel vm0, $0xCCBEBC20, v55  }
0x4d: {  	vm0 =	vlt.f32 v58, $-1.000000000e+08;
	v9 =	vmul.f32 $5.000000000e-01, v9;
	v4 =	vsub.f32 v4, v54  }
0x4e: {  	[tilespmem:s5+$0x2980] =	vst v10;
	v13 =	vmul.f32 $5.000000000e-01, v13;
	v2 =	vadd.f32 v2, v6;
	v6 =	vmul.f32 $5.000000000e-01, v7;
	v7 =	vpop (erf)  }
0x4f: {  	[tilespmem:s6+$0x2900] =	vst v1;
	vm1 =	vmor vm2, vm1;
	v1 =	vmul.f32 v4, v7;
	v4 =	vmul.f32 v4, v11  }
0x50: {  	[tilespmem:s5+$0x2880] =	vst v8;
	vm2 =	vgt.f32 v58, $-1.000000000e+08;
	v10 =	vnsel vm1, $0xCCBEBC20, v57;
	v7 =	vsub.f32 v2, v13  }
0x51: {  	[tilespmem:s5+$0x2900] =	vst v0;
	vm1 =	vmmov vm1;
	v8 =	vpop (erf);
	v1 =	vmul.f32 $5.000000000e-01, v1;
	v4 =	vadd.f32 v6, v4  }
0x52: {  	[tilespmem:s5+$0x2800] =	vst v12;
	v6 =	vnsel vm1, $0xCCBEBC20, v7;
	v7 =	vmul.f32 v5, v8;
	v5 =	vmul.f32 v5, v58  }
0x53: {  	vm0 =	vmor vm2, vm0;
	v3 =	vnsel vm1, $0xCCBEBC20, v3;
	[tilespmem:s7+$0x2980] =	vst v10;
	v0 =	vadd.f32 v1, v4  }
0x54: {  	[tilespmem:s7+$0x2880] =	vst v3;
	v2 =	vadd.f32 v13, v2;
	v3 =	vmul.f32 $5.000000000e-01, v7;
	v5 =	vadd.f32 v9, v5  }
0x55: {  	[tilespmem:s7+$0x2800] =	vst v6;
	v1 =	vsub.f32 v4, v1;
	v0 =	vnsel vm0, $0xCCBEBC20, v0  }
0x56: {  	vm0 =	vmmov vm0;
	[tilespmem:s8+$0x2980] =	vst v0;
	v0 =	vnsel vm1, $0xCCBEBC20, v2;
	v2 =	vsub.f32 v5, v3  }
0x57: {  	v1 =	vnsel vm0, $0xCCBEBC20, v1;
	[tilespmem:s7+$0x2900] =	vst v0;
	v0 =	vadd.f32 v3, v5  }
0x58: {  	[tilespmem:s8+$0x2880] =	vst v1;
	v1 =	vnsel vm0, $0xCCBEBC20, v2  }
0x59: {  	s4 =	sadd.s32 s2, s4;
	[tilespmem:s8+$0x2800] =	vst v1;
	v0 =	vnsel vm0, $0xCCBEBC20, v0  }
0x5a: {  	s21 =	simm.s32 $0x0;
	s22 =	simm.s32 $0x2800;
	s23 =	simm.s32 $0x2;
	[tilespmem:s8+$0x2900] =	vst v0  }
0x5b: {  	[hbm4b:s4+s21] =	stream.linear.scatter [tilespmem:s22], [sflag:$0x3], $0xA00, $0x38;
	[tilespmem:$0x3C00] =	vst v63  }
0x5c: {  	_ =	swait.ge [sflag:s23], $0xA00  }
0x5d: {  	[sflag:s23] =	ssyncset.done $0x0  }
0x5e: {  	[sflag:s23] =	ssyncadd.s32 $0xFFFFF600  }
0x5f: {  	s24 =	simm.s32 $0x280;
	s25 =	simm.s32 $0xA00;
	_ =	swait.ge [sflag:s23], $0xA00  }
0x60: {  	s6 =	sand.u32 $0x1E00, s25;
	s5 =	sand.u32 $0x70, s24;
	[sflag:s23] =	ssyncset.done $0x0  }
0x61: {  	s5 =	sor.u32 s5, s6;
	[sflag:s23] =	ssyncadd.s32 $0xFFFFF600  }
0x62: {  	v0 =	vld [tilespmem:s5+$0x180];
	_ =	sdelay $0x3  }
0x63: {  	v1 =	vld [tilespmem:s5+$0x100]  }
0x64: {  	v0 =	vmin.f32 v0, $3.332204580e+00  }
0x65: {  	s26 =	simm.s32 $0x290;
	s28 =	simm.s32 $0xA40;
	v2 =	vld [tilespmem:s5+$0x1400];
	v0 =	vmul.f32 $1.442695020e+00, v0  }
0x66: {  	s6 =	sand.u32 $0x1E00, s28;
	s4 =	sand.u32 $0x70, s26;
	v3 =	vld [tilespmem:s5+$0x1500]  }
0x67: {  	s4 =	sor.u32 s4, s6;
	v4 =	vld [tilespmem:s5+$0x1580];
	(erf) = vpow2.f32 v0  }
0x68: {  	v5 =	vld [tilespmem:s4+$0x180];
	v0 =	vmin.f32 v1, $3.332204580e+00  }
0x69: {  	v1 =	vld [tilespmem:s5+$0x1480];
	v0 =	vmul.f32 $1.442695020e+00, v0  }
0x6a: {  	v6 =	vld [tilespmem:s5+$0x80]  }
0x6b: {  	v7 =	vld [tilespmem:s4+$0x1400];
	(erf) = vpow2.f32 v0  }
0x6c: {  	v0 =	vld [tilespmem:s4+$0x100]  }
0x6d: {  	v8 =	vld [tilespmem:s4+$0x1500];
	v5 =	vmin.f32 v5, $3.332204580e+00  }
0x6e: {  	v5 =	vmul.f32 $1.442695020e+00, v5;
	v9 =	vadd.f32 v4, v1  }
0x6f: {  	v10 =	vld [tilespmem:s5+$0x0];
	v1 =	vsub.f32 v4, v1;
	v4 =	vsub.f32 v3, v2  }
0x70: {  	s29 =	simm.s32 $0x2A0;
	s30 =	simm.s32 $0xA80;
	v2 =	vadd.f32 v3, v2;
	v3 =	vmul.f32 $5.000000000e-01, v9;
	v11 =	vpop (erf);
	(erf) = vpow2.f32 v5  }
0x71: {  	s7 =	sand.u32 $0x1E00, s30;
	s6 =	sand.u32 $0x70, s29;
	v59 =	vld [tilespmem:s4+$0x1580];
	v0 =	vmin.f32 v0, $3.332204580e+00;
	v9 =	vmul.f32 v1, v11;
	v1 =	vmul.f32 v1, v6  }
0x72: {  	s6 =	sor.u32 s6, s7;
	v5 =	vmul.f32 $5.000000000e-01, v2;
	v2 =	vmul.f32 $1.442695020e+00, v0;
	v0 =	vsub.f32 v8, v7;
	v6 =	vld [tilespmem:s4+$0x1480]  }
0x73: {  	v3 =	vadd.f32 v3, v1;
	v1 =	vadd.f32 v8, v7;
	v7 =	vld [tilespmem:s6+$0x180]  }
0x74: {  	vm0 =	vlt.f32 v10, $-1.000000000e+08;
	v11 =	vpop (erf);
	v9 =	vmul.f32 $5.000000000e-01, v9;
	(erf) = vpow2.f32 v2  }
0x75: {  	vm1 =	vgt.f32 v10, $-1.000000000e+08;
	v2 =	vmul.f32 v4, v11;
	v11 =	vld [tilespmem:s6+$0x100];
	v4 =	vmul.f32 v4, v10  }
0x76: {  	vm1 =	vmor vm1, vm0;
	v10 =	vld [tilespmem:s4+$0x80];
	v8 =	vadd.f32 v9, v3;
	v3 =	vsub.f32 v3, v9  }
0x77: {  	vm0 =	vmmov vm1;
	v9 =	vmul.f32 $5.000000000e-01, v2;
	v5 =	vadd.f32 v5, v4  }
0x78: {  	v2 =	vld [tilespmem:s6+$0x1400];
	v60 =	vadd.f32 v59, v6;
	v61 =	vnsel vm0, $0xCCBEBC20, v3;
	v3 =	vmin.f32 v7, $3.332204580e+00  }
0x79: {  	v1 =	vmul.f32 $5.000000000e-01, v1;
	v4 =	vld [tilespmem:s6+$0x1500];
	v6 =	vsub.f32 v59, v6  }
0x7a: {  	v8 =	vnsel vm1, $0xCCBEBC20, v8;
	v62 =	vsub.f32 v5, v9;
	v13 =	vmul.f32 $5.000000000e-01, v60  }
0x7b: {  	v7 =	vld [tilespmem:s4+$0x0];
	v11 =	vmin.f32 v11, $3.332204580e+00;
	v63 =	vmul.f32 $1.442695020e+00, v3;
	v16 =	vmul.f32 v6, v10;
	v3 =	vpop (erf)  }
0x7c: {  	[tilespmem:s5+$0x2980] =	vst v8;
	v10 =	vmul.f32 $1.442695020e+00, v11;
	v8 =	vmul.f32 v6, v3  }
0x7d: {  	s31 =	simm.s32 $0x2B0;
	s7 =	simm.s32 $0xAC0;
	[tilespmem:s5+$0x2880] =	vst v61;
	v12 =	vnsel vm0, $0xCCBEBC20, v62;
	(erf) = vpow2.f32 v63;
	v3 =	vadd.f32 v9, v5  }
0x7e: {  	s9 =	sand.u32 $0x70, s31;
	s8 =	simm.s32 $0x2C0;
	s10 =	sand.u32 $0x1E00, s7;
	[tilespmem:s5+$0x2800] =	vst v12;
	v11 =	vpop (erf);
	v5 =	vld [tilespmem:s6+$0x1480];
	v6 =	vsub.f32 v4, v2;
	v9 =	vadd.f32 v13, v16;
	v8 =	vmul.f32 $5.000000000e-01, v8  }
.LBB2_3:
0x7f: {  	p0 =	sne.s32 s8, $0x4F0;
	s9 =	sor.u32 s9, s10;
	v12 =	vld [tilespmem:s6+$0x1580];
	v2 =	vadd.f32 v4, v2;
	(erf) = vpow2.f32 v10;
	v4 =	vmul.f32 v0, v11  }
0x80: {  	v10 =	vld [tilespmem:s9+$0x180];
	vm1 =	vlt.f32 v7, $-1.000000000e+08;
	vm2 =	vgt.f32 v7, $-1.000000000e+08;
	v11 =	vadd.f32 v8, v9  }
0x81: {  	v7 =	vmul.f32 v0, v7;
	v0 =	vmovc v6;
	v13 =	vld [tilespmem:s9+$0x100];
	v14 =	vmul.f32 $5.000000000e-01, v2;
	vm1 =	vmor vm2, vm1  }
0x82: {  	v8 =	vsub.f32 v9, v8;
	v15 =	vmul.f32 $5.000000000e-01, v4;
	v6 =	vld [tilespmem:s6+$0x80];
	v4 =	vnsel vm1, $0xCCBEBC20, v11  }
0x83: {  	v3 =	vnsel vm0, $0xCCBEBC20, v3;
	v9 =	vadd.f32 v1, v7;
	vm0 =	vmmov vm1;
	v2 =	vld [tilespmem:s9+$0x1400];
	[tilespmem:s4+$0x2980] =	vst v4;
	v1 =	vmovc v14  }
0x84: {  	v7 =	vnsel vm0, $0xCCBEBC20, v8;
	v4 =	vld [tilespmem:s9+$0x1500];
	v11 =	vadd.f32 v12, v5;
	[tilespmem:s5+$0x2900] =	vst v3;
	s5 =	smov.u32 s4;
	s4 =	smov.u32 s6;
	s6 =	smov.u32 s9  }
.Ltmp1:
0x85: {  	v5 =	vsub.f32 v12, v5;
	v8 =	vsub.f32 v9, v15;
	v14 =	vmin.f32 v10, $3.332204580e+00;
	[tilespmem:s5+$0x2880] =	vst v7;
	(pc) =	sbr.rel @p0 .LBB2_3-.Ltmp1, $4  }
0x86: {  	v10 =	vmin.f32 v13, $3.332204580e+00;
	v12 =	vmul.f32 $1.442695020e+00, v14;
	v7 =	vld [tilespmem:s4+$0x0];
	v13 =	vmul.f32 $5.000000000e-01, v11;
	v3 =	vpop (erf)  }
0x87: {  	v14 =	vmul.f32 v5, v3;
	v16 =	vmul.f32 v5, v6;
	v3 =	vadd.f32 v15, v9  }
0x88: {  	s7 =	sadd.s32 $0x40, s7;
	v10 =	vmul.f32 $1.442695020e+00, v10;
	(erf) = vpow2.f32 v12;
	v11 =	vpop (erf);
	v12 =	vnsel vm0, $0xCCBEBC20, v8  }
0x89: {  	s10 =	sand.u32 $0x1E00, s7;
	s9 =	sand.u32 $0x70, s8;
	s8 =	sadd.s32 $0x10, s8;
	v5 =	vld [tilespmem:s6+$0x1480];
	v6 =	vsub.f32 v4, v2;
	v8 =	vmul.f32 $5.000000000e-01, v14;
	v9 =	vadd.f32 v13, v16;
	[tilespmem:s5+$0x2800] =	vst v12  }
0x8a: {  	s7 =	sor.u32 s9, s10;
	v13 =	vld [tilespmem:s6+$0x1580]  }
0x8b: {  	v12 =	vld [tilespmem:s7+$0x180]  }
0x8c: {  	v2 =	vadd.f32 v4, v2;
	(erf) = vpow2.f32 v10;
	v31 =	vld [tilespmem:s6+$0x80]  }
0x8d: {  	v27 =	vmul.f32 v0, v11;
	v34 =	vnsel vm0, $0xCCBEBC20, v3;
	vm1 =	vlt.f32 v7, $-1.000000000e+08;
	v29 =	vld [tilespmem:s7+$0x100]  }
0x8e: {  	v37 =	vld [tilespmem:s6+$0x0];
	vm2 =	vgt.f32 v7, $-1.000000000e+08;
	v28 =	vadd.f32 v8, v9;
	v30 =	vmul.f32 v0, v7  }
0x8f: {  	v32 =	vsub.f32 v9, v8;
	v33 =	vld [tilespmem:s7+$0x1400];
	v2 =	vmul.f32 $5.000000000e-01, v2;
	vm1 =	vmor vm2, vm1  }
0x90: {  	v14 =	vld [tilespmem:s7+$0x1500];
	v4 =	vmul.f32 $5.000000000e-01, v27;
	v10 =	vnsel vm1, $0xCCBEBC20, v28;
	v12 =	vmin.f32 v12, $3.332204580e+00  }
0x91: {  	v40 =	vld [tilespmem:s7+$0x1480];
	v0 =	vadd.f32 v1, v30;
	vm11 =	vmmov vm1;
	v12 =	vmul.f32 $1.442695020e+00, v12  }
0x92: {  	v42 =	vld [tilespmem:s7+$0x1580];
	v8 =	vnsel vm11, $0xCCBEBC20, v32;
	v15 =	vadd.f32 v13, v5;
	v36 =	vmin.f32 v29, $3.332204580e+00  }
0x93: {  	v49 =	vld [tilespmem:s7+$0x0];
	v35 =	vsub.f32 v13, v5;
	v5 =	vmul.f32 $1.442695020e+00, v36;
	(erf) = vpow2.f32 v12  }
0x94: {  	v41 =	vsub.f32 v0, v4;
	v0 =	vadd.f32 v4, v0;
	vm12 =	vlt.f32 v37, $-1.000000000e+08  }
0x95: {  	vm13 =	vgt.f32 v37, $-1.000000000e+08;
	v45 =	vmul.f32 v6, v37;
	v39 =	vpop (erf);
	(erf) = vpow2.f32 v5  }
0x96: {  	v44 =	vsub.f32 v14, v33;
	v9 =	vadd.f32 v14, v33;
	vm1 =	vmor vm13, vm12  }
0x97: {  	v48 =	vadd.f32 v42, v40;
	v4 =	vsub.f32 v42, v40;
	v38 =	vmul.f32 $5.000000000e-01, v15  }
0x98: {  	v46 =	vld [tilespmem:s7+$0x80];
	vm14 =	vlt.f32 v49, $-1.000000000e+08;
	v7 =	vmul.f32 v35, v31;
	v3 =	vmul.f32 v35, v39  }
0x99: {  	vm15 =	vgt.f32 v49, $-1.000000000e+08;
	v2 =	vadd.f32 v2, v45;
	v0 =	vnsel vm11, $0xCCBEBC20, v0;
	v43 =	vpop (erf)  }
0x9a: {  	v7 =	vadd.f32 v38, v7;
	v3 =	vmul.f32 $5.000000000e-01, v3;
	v13 =	vmul.f32 v6, v43  }
0x9b: {  	[tilespmem:s5+$0x2900] =	vst v34;
	v9 =	vmul.f32 $5.000000000e-01, v9;
	v51 =	vmul.f32 $5.000000000e-01, v48;
	v12 =	vnsel vm11, $0xCCBEBC20, v41  }
0x9c: {  	[tilespmem:s4+$0x2980] =	vst v10;
	v5 =	vmul.f32 v44, v49;
	v47 =	vadd.f32 v3, v7;
	v13 =	vmul.f32 $5.000000000e-01, v13;
	v52 =	vpop (erf)  }
0x9d: {  	[tilespmem:s4+$0x2880] =	vst v8;
	v3 =	vsub.f32 v7, v3;
	v53 =	vmul.f32 v4, v52;
	v4 =	vmul.f32 v4, v46  }
0x9e: {  	[tilespmem:s4+$0x2900] =	vst v0;
	v50 =	vnsel vm1, $0xCCBEBC20, v47;
	vm1 =	vmmov vm1;
	v54 =	vsub.f32 v2, v13;
	v55 =	vpop (erf)  }
0x9f: {  	[tilespmem:s4+$0x2800] =	vst v12;
	v57 =	vmul.f32 v44, v55;
	v1 =	vmul.f32 $5.000000000e-01, v53;
	v4 =	vadd.f32 v51, v4  }
0xa0: {  	v5 =	vadd.f32 v9, v5;
	v2 =	vadd.f32 v13, v2;
	v3 =	vnsel vm1, $0xCCBEBC20, v3;
	[tilespmem:s6+$0x2980] =	vst v50  }
0xa1: {  	v56 =	vnsel vm1, $0xCCBEBC20, v54;
	[tilespmem:s6+$0x2880] =	vst v3;
	v59 =	vmul.f32 $5.000000000e-01, v57;
	v58 =	vadd.f32 v1, v4  }
0xa2: {  	vm0 =	vmor vm15, vm14;
	v60 =	vnsel vm1, $0xCCBEBC20, v2;
	[tilespmem:s6+$0x2800] =	vst v56;
	v1 =	vsub.f32 v4, v1  }
0xa3: {  	[tilespmem:s6+$0x2900] =	vst v60;
	v61 =	vsub.f32 v5, v59;
	v0 =	vnsel vm0, $0xCCBEBC20, v58;
	vm0 =	vmmov vm0  }
0xa4: {  	v62 =	vadd.f32 v59, v5;
	[tilespmem:s7+$0x2980] =	vst v0;
	v1 =	vnsel vm0, $0xCCBEBC20, v1  }
0xa5: {  	v63 =	vnsel vm0, $0xCCBEBC20, v61;
	[tilespmem:s7+$0x2880] =	vst v1  }
0xa6: {  	s2 =	sadd.s32 s2, s3;
	v0 =	vnsel vm0, $0xCCBEBC20, v62;
	[tilespmem:s7+$0x2800] =	vst v63  }
0xa7: {  	s28 =	simm.s32 $0x0;
	s29 =	simm.s32 $0x3200;
	s30 =	simm.s32 $0x4;
	[tilespmem:s7+$0x2900] =	vst v0  }
0xa8: {  	[hbm4b:s2+s28] =	stream.linear.scatter [tilespmem:s29], [sflag:$0x4], $0xA00, $0x38;
	[tilespmem:$0x3C00] =	vst v63  }
0xa9: {  	_ =	swait.ge [sflag:s30], $0xA00  }
0xaa: {  	[sflag:s30] =	ssyncset.done $0x0  }
0xab: {  	s31 =	simm.s32 $0x3;
	[sflag:s30] =	ssyncadd.s32 $0xFFFFF600  }
0xac: {  	_ =	swait.ge [sflag:s31], $0xA00  }
0xad: {  	[sflag:s31] =	ssyncset.done $0x0  }
0xae: {  	[sflag:s31] =	ssyncadd.s32 $0xFFFFF600  }
0xaf: {  	_ =	sfence.sel $0x180000  }
0xb0: {  	[bflag:$0x0] =	sbarrier.arrive $0xFFFF  }
0xb1: {  	p0 =	sne.s32 s0, $0x0;
	_ =	strace $0x90000047  }
0xb2: {  	s0 =	sadd.s32 @!p0 $0x100000, s1;
	[bflag:$0x2] =	sbarrier.arrive $0xFFFF  }
0xb3: {  	[sflag:s0] =	ssyncadd.tile.s32 @!p0 $0x1;
	_ =	shalt  }
.Lfunc_end2:
_tile_overlayer_lowered:
.L_overlay_start_2:
0xb4: {  	(tag) =	ssettag $0x2  }
0xb5: {  	s0 =	rddreg [dreg:$0x0];
	s2 =	stileid.u32  }
0xb6: {  	s1 =	rddreg [dreg:$0x1];
	p0 =	sne.s32 s2, $0x0  }
0xb7: {  	s3 =	rddreg [dreg:$0x2];
	[bflag:$0x3] =	sbarrier.arrive $0xFFFF;
	s2 =	simm.s32 @!p0 $0x1C04  }
0xb8: {  	[timem:s3], [sflag:s2] =	dma.local @!p0 [hbm:s0], s1  }
0xb9: {  	s0 =	simm.s32 @!p0 $0x4  }
0xba: {  	_ =	swait.ge @!p0 [sflag:s0], s1  }
0xbb: {  	s1 =	ssub.s32 @!p0 $0x0, s1;
	[sflag:s0] =	ssyncset.done @!p0 $0x0  }
0xbc: {  	[sflag:s0] =	ssyncadd.s32 @!p0 s1  }
0xbd: {  	[bflag:$0x3] =	sbarrier.arrive $0xFFFF  }
0xbe: {  	_ =	shalt  }

</sc_bundles>
